<compile_context>
chip_gen: v7x
topology: tpu7x:2x2x1
jax: 0.10.2.dev20260603
libtpu: 0.0.44.dev20260713+nightly
codegen_flags: <defaults>
</compile_context>

<pallas_src>
import jax
import jax.numpy as jnp
from jax import lax
from jax.experimental import pallas as pl
from jax.experimental.pallas import tpu as pltpu
from jax.experimental.pallas import tpu_sc as plsc

_DIM = 1024
_HALF = _DIM // 2
_L0 = 64
_L1 = 64
_LANES = 16
_NVR = _HALF // _LANES
_NC = 2
_NS = 16
_NW = _NC * _NS
_C0W = _L0 // _NW
_ROWS_W = _C0W * _L1


def _tables_kernel(w0_ref, b0_ref, w1_ref, b1_ref, scal_ref,
                   emb0_ref, emb1_ref):
    c = jax.lax.broadcasted_iota(jnp.int32, (_L0, 1), 0).astype(jnp.float32)
    pos0 = c / scal_ref[0, 0] * scal_ref[0, 1]
    emb0_ref[...] = jnp.sin(pos0 * w0_ref[...] + b0_ref[...])
    pos1 = c / scal_ref[0, 2] * scal_ref[0, 3]
    emb1_ref[...] = jnp.sin(pos1 * w1_ref[...] + b1_ref[...])


def _sc_expand(emb0_hbm, emb1_hbm, out_hbm, emb0_v, bc0_v, bc1_v,
               shm_emb1, sem):
    cid = lax.axis_index("c")
    sid = lax.axis_index("s")
    wid = sid * _NC + cid
    @pl.when(sid < 8)
    def _():
        off = pl.multiple_of(sid * 8, 8)
        pltpu.sync_copy(emb1_hbm.at[pl.ds(off, 8)],
                        shm_emb1.at[pl.ds(off, 8)])

    pltpu.sync_copy(emb0_hbm.at[pl.ds(wid * _C0W, _C0W)], emb0_v)
    plsc.subcore_barrier()

    base = wid * _ROWS_W
    for j in range(_C0W):
        blk = base + j * _L1
        pltpu.async_copy(
            shm_emb1, out_hbm.at[pl.ds(blk, _L1), pl.ds(_HALF, _HALF)], sem)
    for j, bc_v in ((0, bc0_v), (1, bc1_v)):
        blk = base + j * _L1
        row_vals = [emb0_v[j, pl.ds(v * _LANES, _LANES)] for v in range(_NVR)]

        def _fill(r2, carry, bc_v=bc_v, row_vals=row_vals):
            for rr in range(2):
                for v in range(_NVR):
                    bc_v[r2 * 2 + rr, pl.ds(v * _LANES, _LANES)] = row_vals[v]
            return carry

        lax.fori_loop(0, _L1 // 2, _fill, 0)
        pltpu.async_copy(
            bc_v, out_hbm.at[pl.ds(blk, _L1), pl.ds(0, _HALF)], sem)
    pltpu.make_async_copy(
        out_hbm.at[pl.ds(base, _ROWS_W)],
        out_hbm.at[pl.ds(base, _ROWS_W)],
        sem,
    ).wait()


def kernel(seq_len_or_axial_dims, W0, b0, W1, b1, div0, mult0, div1, mult1):
    w0 = W0.reshape(1, _HALF)
    b0r = b0.reshape(1, _HALF)
    w1 = W1.reshape(1, _HALF)
    b1r = b1.reshape(1, _HALF)
    scal = jnp.stack([div0, mult0, div1, mult1]).reshape(1, 4)

    emb0, emb1 = pl.pallas_call(
        _tables_kernel,
        out_shape=[
            jax.ShapeDtypeStruct((_L0, _HALF), jnp.float32),
            jax.ShapeDtypeStruct((_L1, _HALF), jnp.float32),
        ],
    )(w0, b0r, w1, b1r, scal)

    expand = pl.kernel(
        _sc_expand,
        out_type=jax.ShapeDtypeStruct((_L0 * _L1, _DIM), jnp.float32),
        mesh=plsc.VectorSubcoreMesh(core_axis_name="c", subcore_axis_name="s"),
        scratch_types=[
            pltpu.VMEM((_C0W, _HALF), jnp.float32),
            pltpu.VMEM((_L1, _HALF), jnp.float32),
            pltpu.VMEM((_L1, _HALF), jnp.float32),
            pltpu.VMEM_SHARED((_L1, _HALF), jnp.float32),
            pltpu.SemaphoreType.DMA,
        ],
    )
    return expand(emb0, emb1)

# --- scband reference (transcript-rebuilt; emitter-appended) ---
"""Pipeline reference for scband-continuous-axial-positional-embedding-16183436771550 (READ-ONLY COPY).

The authoritative reference and input builder live on the scoring server;
editing this copy changes nothing except your own understanding.
"""

import jax, jax.numpy as jnp
import numpy as np

DIM = 1024
NUM_AXIAL = 2
AXIAL_DIMS = (64, 64)
HALF = DIM // NUM_AXIAL


def setup_inputs(seed: int = 0) -> dict:
    key = jax.random.key(seed)
    ks = jax.random.split(key, 4)
    # nn.Linear(1, HALF): weight [HALF, 1], bias [HALF]; torch init is U(-1, 1) for fan_in=1
    W0 = jax.random.uniform(ks[0], (HALF, 1), dtype=jnp.float32, minval=-1.0, maxval=1.0)
    b0 = jax.random.uniform(ks[1], (HALF,), dtype=jnp.float32, minval=-1.0, maxval=1.0)
    W1 = jax.random.uniform(ks[2], (HALF, 1), dtype=jnp.float32, minval=-1.0, maxval=1.0)
    b1 = jax.random.uniform(ks[3], (HALF,), dtype=jnp.float32, minval=-1.0, maxval=1.0)
    return {
        "seq_len_or_axial_dims": 4096,
        "W0": W0, "b0": b0,
        "W1": W1, "b1": b1,
        "div0": jnp.asarray(1.0, dtype=jnp.float32),
        "mult0": jnp.asarray(1.0, dtype=jnp.float32),
        "div1": jnp.asarray(1.0, dtype=jnp.float32),
        "mult1": jnp.asarray(1.0, dtype=jnp.float32),
    }


def reference(seq_len_or_axial_dims, W0, b0, W1, b1, div0, mult0, div1, mult1):
    # axial_dims are fixed at init; seq_len arg only selects them
    L0, L1 = AXIAL_DIMS
    # factorized per-axis continuous embeddings: sin(Linear(pos / div * mult))
    pos0 = jnp.arange(L0, dtype=jnp.float32) / div0 * mult0
    emb0 = jnp.sin(pos0[:, None] * W0[:, 0][None, :] + b0[None, :])  # [L0, HALF]
    pos1 = jnp.arange(L1, dtype=jnp.float32) / div1 * mult1
    emb1 = jnp.sin(pos1[:, None] * W1[:, 0][None, :] + b1[None, :])  # [L1, HALF]
    # flatten: for flat index i (row-major, last axis fastest):
    #   coords = (i // L1, i % L1); row = cat(emb0[c0], emb1[c1])
    total = L0 * L1
    idx = jnp.arange(total)
    c0 = idx // L1
    c1 = idx % L1
    g0 = jnp.take(emb0, c0, axis=0)  # gather [total, HALF]
    g1 = jnp.take(emb1, c1, axis=0)  # gather [total, HALF]
    abs_pos_emb = jnp.concatenate([g0, g1], axis=-1)  # [total, DIM]
    return abs_pos_emb

if __name__ == "__main__":
    import jax
    _d = setup_inputs()
    print(jax.jit(kernel)(*tuple(_d.values())))

</pallas_src>

<mosaic_0001>
#map = affine_map<(d0, d1) -> (0, 0)>
module attributes {stable_mosaic.version = 14 : i64} {
  func.func @_sc_expand(%arg0: i32, %arg1: i32, %arg2: memref<64x512xf32, #tpu.memory_space<hbm>>, %arg3: memref<64x512xf32, #tpu.memory_space<hbm>>, %arg4: memref<4096x1024xf32, #tpu.memory_space<hbm>>, %arg5: memref<2x512xf32, #tpu.memory_space<vmem>>, %arg6: memref<64x512xf32, #tpu.memory_space<vmem>>, %arg7: memref<64x512xf32, #tpu.memory_space<vmem>>, %arg8: memref<64x512xf32, #tpu.memory_space<vmem_shared>>, %arg9: memref<!tpu.dma_semaphore, #tpu.memory_space<semaphore_mem>>) attributes {dimension_semantics = [#tpu.dimension_semantics<core_parallel>, #tpu.dimension_semantics<subcore_parallel>], iteration_bounds = array<i64: 2, 16>, scalar_prefetch = 0 : i64, scratch_operands = 5 : i64, tpu.core_type = #tpu.core_type<sc_vector_subcore>, window_params = [{transform_indices = #map}, {transform_indices = #map}, {transform_indices = #map}]} {
    %mul3A = arith.constant 2 : i32
    %mul3A_0 = arith.muli %arg1, %mul3A : i32
    %add3A = arith.addi %mul3A_0, %arg0 : i32
    %lt3A = arith.constant 8 : i32
    %lt3A_1 = arith.cmpi slt, %arg1, %lt3A : i32
    %convert_element_type3A = arith.extui %lt3A_1 : i1 to i32
    %cond3A = arith.constant 0 : i32
    %cond3A_2 = arith.cmpi ne, %convert_element_type3A, %cond3A : i32
    scf.if %cond3A_2 {
      %mul3A_359 = arith.constant 8 : i32
      %mul3A_360 = arith.muli %arg1, %mul3A_359 : i32
      %multiple_of3A = tpu.assume_multiple %mul3A_360, 8 : i32
      "tpu.region"() ({
        %run_scoped3A = tpu.sem_alloc : memref<!tpu.dma_semaphore, #tpu.memory_space<semaphore_mem>>
        %dma_start3A_361 = arith.constant 0 : i32
        %dma_start3A_362 = tpu.memref_slice %arg8[%multiple_of3A, %dma_start3A_361] : memref<64x512xf32, #tpu.memory_space<vmem_shared>> -> memref<8x512xf32, #tpu.memory_space<vmem_shared>>
        %dma_start3A_363 = arith.constant 0 : i32
        %dma_start3A_364 = tpu.memref_slice %arg3[%multiple_of3A, %dma_start3A_363] : memref<64x512xf32, #tpu.memory_space<hbm>> -> memref<8x512xf32, #tpu.memory_space<hbm>>
        tpu.enqueue_dma source(%dma_start3A_364 : memref<8x512xf32, #tpu.memory_space<hbm>>) target(%dma_start3A_362 : memref<8x512xf32, #tpu.memory_space<vmem_shared>>) target_semaphore(%run_scoped3A : memref<!tpu.dma_semaphore, #tpu.memory_space<semaphore_mem>>)
        %dma_wait3A_365 = arith.constant 0 : i32
        %dma_wait3A_366 = tpu.memref_slice %arg8[%multiple_of3A, %dma_wait3A_365] : memref<64x512xf32, #tpu.memory_space<vmem_shared>> -> memref<8x512xf32, #tpu.memory_space<vmem_shared>>
        %dma_wait3A_367 = arith.constant 0 : i32
        %dma_wait3A_368 = tpu.memref_slice %arg3[%multiple_of3A, %dma_wait3A_367] : memref<64x512xf32, #tpu.memory_space<hbm>> -> memref<8x512xf32, #tpu.memory_space<hbm>>
        tpu.wait_dma2 semaphore(%run_scoped3A : memref<!tpu.dma_semaphore, #tpu.memory_space<semaphore_mem>>) src(%dma_wait3A_368 : memref<8x512xf32, #tpu.memory_space<hbm>>) dst(%dma_wait3A_366 : memref<8x512xf32, #tpu.memory_space<vmem_shared>>)
        tpu.yield
      }) : () -> ()
    } else {
    }
    %mul3A_3 = arith.constant 2 : i32
    %mul3A_4 = arith.muli %add3A, %mul3A_3 : i32
    "tpu.region"() ({
      %run_scoped3A = tpu.sem_alloc : memref<!tpu.dma_semaphore, #tpu.memory_space<semaphore_mem>>
      %dma_start3A_359 = arith.constant 0 : i32
      %dma_start3A_360 = tpu.memref_slice %arg2[%mul3A_4, %dma_start3A_359] : memref<64x512xf32, #tpu.memory_space<hbm>> -> memref<2x512xf32, #tpu.memory_space<hbm>>
      %dma_start3A_361 = arith.constant 0 : i32
      %dma_start3A_362 = tpu.memref_slice %arg2[%mul3A_4, %dma_start3A_361] : memref<64x512xf32, #tpu.memory_space<hbm>> -> memref<2x512xf32, #tpu.memory_space<hbm>>
      tpu.enqueue_dma source(%dma_start3A_362 : memref<2x512xf32, #tpu.memory_space<hbm>>) target(%arg5 : memref<2x512xf32, #tpu.memory_space<vmem>>) target_semaphore(%run_scoped3A : memref<!tpu.dma_semaphore, #tpu.memory_space<semaphore_mem>>)
      %dma_wait3A_363 = arith.constant 0 : i32
      %dma_wait3A_364 = tpu.memref_slice %arg2[%mul3A_4, %dma_wait3A_363] : memref<64x512xf32, #tpu.memory_space<hbm>> -> memref<2x512xf32, #tpu.memory_space<hbm>>
      %dma_wait3A_365 = arith.constant 0 : i32
      %dma_wait3A_366 = tpu.memref_slice %arg2[%mul3A_4, %dma_wait3A_365] : memref<64x512xf32, #tpu.memory_space<hbm>> -> memref<2x512xf32, #tpu.memory_space<hbm>>
      tpu.wait_dma2 semaphore(%run_scoped3A : memref<!tpu.dma_semaphore, #tpu.memory_space<semaphore_mem>>) src(%dma_wait3A_366 : memref<2x512xf32, #tpu.memory_space<hbm>>) dst(%arg5 : memref<2x512xf32, #tpu.memory_space<vmem>>)
      tpu.yield
    }) : () -> ()
    %barrier3A = arith.constant 0 : index
    tpu.barrier barrier_id(%barrier3A)
    %mul3A_5 = arith.constant 128 : i32
    %mul3A_6 = arith.muli %add3A, %mul3A_5 : i32
    %add3A_7 = arith.constant 0 : i32
    %add3A_8 = arith.addi %mul3A_6, %add3A_7 : i32
    %dma_start3A = arith.constant 512 : i32
    %dma_start3A_9 = tpu.memref_slice %arg4[%add3A_8, %dma_start3A] : memref<4096x1024xf32, #tpu.memory_space<hbm>> -> memref<64x512xf32, #tpu.memory_space<hbm>>
    tpu.enqueue_dma source(%arg8 : memref<64x512xf32, #tpu.memory_space<vmem_shared>>) target(%dma_start3A_9 : memref<64x512xf32, #tpu.memory_space<hbm>>) target_semaphore(%arg9 : memref<!tpu.dma_semaphore, #tpu.memory_space<semaphore_mem>>)
    %add3A_10 = arith.constant 64 : i32
    %add3A_11 = arith.addi %mul3A_6, %add3A_10 : i32
    %dma_start3A_12 = arith.constant 512 : i32
    %dma_start3A_13 = tpu.memref_slice %arg4[%add3A_11, %dma_start3A_12] : memref<4096x1024xf32, #tpu.memory_space<hbm>> -> memref<64x512xf32, #tpu.memory_space<hbm>>
    tpu.enqueue_dma source(%arg8 : memref<64x512xf32, #tpu.memory_space<vmem_shared>>) target(%dma_start3A_13 : memref<64x512xf32, #tpu.memory_space<hbm>>) target_semaphore(%arg9 : memref<!tpu.dma_semaphore, #tpu.memory_space<semaphore_mem>>)
    %add3A_14 = arith.constant 0 : i32
    %add3A_15 = arith.addi %mul3A_6, %add3A_14 : i32
    %get3A = arith.constant 0 : i32
    %get3A_16 = arith.index_cast %get3A : i32 to index
    %get3A_17 = arith.constant 0 : index
    %get3A_18 = tpu.vector_load %arg5[%get3A_16, %get3A_17] {strides = array<i32>} : memref<2x512xf32, #tpu.memory_space<vmem>>, vector<1x16xf32>,
    %get3A_19 = vector.shape_cast %get3A_18 : vector<1x16xf32> to vector<16xf32>
    %get3A_20 = arith.constant 0 : i32
    %get3A_21 = arith.index_cast %get3A_20 : i32 to index
    %get3A_22 = arith.constant 16 : index
    %get3A_23 = tpu.vector_load %arg5[%get3A_21, %get3A_22] {strides = array<i32>} : memref<2x512xf32, #tpu.memory_space<vmem>>, vector<1x16xf32>,
    %get3A_24 = vector.shape_cast %get3A_23 : vector<1x16xf32> to vector<16xf32>
    %get3A_25 = arith.constant 0 : i32
    %get3A_26 = arith.index_cast %get3A_25 : i32 to index
    %get3A_27 = arith.constant 32 : index
    %get3A_28 = tpu.vector_load %arg5[%get3A_26, %get3A_27] {strides = array<i32>} : memref<2x512xf32, #tpu.memory_space<vmem>>, vector<1x16xf32>,
    %get3A_29 = vector.shape_cast %get3A_28 : vector<1x16xf32> to vector<16xf32>
    %get3A_30 = arith.constant 0 : i32
    %get3A_31 = arith.index_cast %get3A_30 : i32 to index
    %get3A_32 = arith.constant 48 : index
    %get3A_33 = tpu.vector_load %arg5[%get3A_31, %get3A_32] {strides = array<i32>} : memref<2x512xf32, #tpu.memory_space<vmem>>, vector<1x16xf32>,
    %get3A_34 = vector.shape_cast %get3A_33 : vector<1x16xf32> to vector<16xf32>
    %get3A_35 = arith.constant 0 : i32
    %get3A_36 = arith.index_cast %get3A_35 : i32 to index
    %get3A_37 = arith.constant 64 : index
    %get3A_38 = tpu.vector_load %arg5[%get3A_36, %get3A_37] {strides = array<i32>} : memref<2x512xf32, #tpu.memory_space<vmem>>, vector<1x16xf32>,
    %get3A_39 = vector.shape_cast %get3A_38 : vector<1x16xf32> to vector<16xf32>
    %get3A_40 = arith.constant 0 : i32
    %get3A_41 = arith.index_cast %get3A_40 : i32 to index
    %get3A_42 = arith.constant 80 : index
    %get3A_43 = tpu.vector_load %arg5[%get3A_41, %get3A_42] {strides = array<i32>} : memref<2x512xf32, #tpu.memory_space<vmem>>, vector<1x16xf32>,
    %get3A_44 = vector.shape_cast %get3A_43 : vector<1x16xf32> to vector<16xf32>
    %get3A_45 = arith.constant 0 : i32
    %get3A_46 = arith.index_cast %get3A_45 : i32 to index
    %get3A_47 = arith.constant 96 : index
    %get3A_48 = tpu.vector_load %arg5[%get3A_46, %get3A_47] {strides = array<i32>} : memref<2x512xf32, #tpu.memory_space<vmem>>, vector<1x16xf32>,
    %get3A_49 = vector.shape_cast %get3A_48 : vector<1x16xf32> to vector<16xf32>
    %get3A_50 = arith.constant 0 : i32
    %get3A_51 = arith.index_cast %get3A_50 : i32 to index
    %get3A_52 = arith.constant 112 : index
    %get3A_53 = tpu.vector_load %arg5[%get3A_51, %get3A_52] {strides = array<i32>} : memref<2x512xf32, #tpu.memory_space<vmem>>, vector<1x16xf32>,
    %get3A_54 = vector.shape_cast %get3A_53 : vector<1x16xf32> to vector<16xf32>
    %get3A_55 = arith.constant 0 : i32
    %get3A_56 = arith.index_cast %get3A_55 : i32 to index
    %get3A_57 = arith.constant 128 : index
    %get3A_58 = tpu.vector_load %arg5[%get3A_56, %get3A_57] {strides = array<i32>} : memref<2x512xf32, #tpu.memory_space<vmem>>, vector<1x16xf32>,
    %get3A_59 = vector.shape_cast %get3A_58 : vector<1x16xf32> to vector<16xf32>
    %get3A_60 = arith.constant 0 : i32
    %get3A_61 = arith.index_cast %get3A_60 : i32 to index
    %get3A_62 = arith.constant 144 : index
    %get3A_63 = tpu.vector_load %arg5[%get3A_61, %get3A_62] {strides = array<i32>} : memref<2x512xf32, #tpu.memory_space<vmem>>, vector<1x16xf32>,
    %get3A_64 = vector.shape_cast %get3A_63 : vector<1x16xf32> to vector<16xf32>
    %get3A_65 = arith.constant 0 : i32
    %get3A_66 = arith.index_cast %get3A_65 : i32 to index
    %get3A_67 = arith.constant 160 : index
    %get3A_68 = tpu.vector_load %arg5[%get3A_66, %get3A_67] {strides = array<i32>} : memref<2x512xf32, #tpu.memory_space<vmem>>, vector<1x16xf32>,
    %get3A_69 = vector.shape_cast %get3A_68 : vector<1x16xf32> to vector<16xf32>
    %get3A_70 = arith.constant 0 : i32
    %get3A_71 = arith.index_cast %get3A_70 : i32 to index
    %get3A_72 = arith.constant 176 : index
    %get3A_73 = tpu.vector_load %arg5[%get3A_71, %get3A_72] {strides = array<i32>} : memref<2x512xf32, #tpu.memory_space<vmem>>, vector<1x16xf32>,
    %get3A_74 = vector.shape_cast %get3A_73 : vector<1x16xf32> to vector<16xf32>
    %get3A_75 = arith.constant 0 : i32
    %get3A_76 = arith.index_cast %get3A_75 : i32 to index
    %get3A_77 = arith.constant 192 : index
    %get3A_78 = tpu.vector_load %arg5[%get3A_76, %get3A_77] {strides = array<i32>} : memref<2x512xf32, #tpu.memory_space<vmem>>, vector<1x16xf32>,
    %get3A_79 = vector.shape_cast %get3A_78 : vector<1x16xf32> to vector<16xf32>
    %get3A_80 = arith.constant 0 : i32
    %get3A_81 = arith.index_cast %get3A_80 : i32 to index
    %get3A_82 = arith.constant 208 : index
    %get3A_83 = tpu.vector_load %arg5[%get3A_81, %get3A_82] {strides = array<i32>} : memref<2x512xf32, #tpu.memory_space<vmem>>, vector<1x16xf32>,
    %get3A_84 = vector.shape_cast %get3A_83 : vector<1x16xf32> to vector<16xf32>
    %get3A_85 = arith.constant 0 : i32
    %get3A_86 = arith.index_cast %get3A_85 : i32 to index
    %get3A_87 = arith.constant 224 : index
    %get3A_88 = tpu.vector_load %arg5[%get3A_86, %get3A_87] {strides = array<i32>} : memref<2x512xf32, #tpu.memory_space<vmem>>, vector<1x16xf32>,
    %get3A_89 = vector.shape_cast %get3A_88 : vector<1x16xf32> to vector<16xf32>
    %get3A_90 = arith.constant 0 : i32
    %get3A_91 = arith.index_cast %get3A_90 : i32 to index
    %get3A_92 = arith.constant 240 : index
    %get3A_93 = tpu.vector_load %arg5[%get3A_91, %get3A_92] {strides = array<i32>} : memref<2x512xf32, #tpu.memory_space<vmem>>, vector<1x16xf32>,
    %get3A_94 = vector.shape_cast %get3A_93 : vector<1x16xf32> to vector<16xf32>
    %get3A_95 = arith.constant 0 : i32
    %get3A_96 = arith.index_cast %get3A_95 : i32 to index
    %get3A_97 = arith.constant 256 : index
    %get3A_98 = tpu.vector_load %arg5[%get3A_96, %get3A_97] {strides = array<i32>} : memref<2x512xf32, #tpu.memory_space<vmem>>, vector<1x16xf32>,
    %get3A_99 = vector.shape_cast %get3A_98 : vector<1x16xf32> to vector<16xf32>
    %get3A_100 = arith.constant 0 : i32
    %get3A_101 = arith.index_cast %get3A_100 : i32 to index
    %get3A_102 = arith.constant 272 : index
    %get3A_103 = tpu.vector_load %arg5[%get3A_101, %get3A_102] {strides = array<i32>} : memref<2x512xf32, #tpu.memory_space<vmem>>, vector<1x16xf32>,
    %get3A_104 = vector.shape_cast %get3A_103 : vector<1x16xf32> to vector<16xf32>
    %get3A_105 = arith.constant 0 : i32
    %get3A_106 = arith.index_cast %get3A_105 : i32 to index
    %get3A_107 = arith.constant 288 : index
    %get3A_108 = tpu.vector_load %arg5[%get3A_106, %get3A_107] {strides = array<i32>} : memref<2x512xf32, #tpu.memory_space<vmem>>, vector<1x16xf32>,
    %get3A_109 = vector.shape_cast %get3A_108 : vector<1x16xf32> to vector<16xf32>
    %get3A_110 = arith.constant 0 : i32
    %get3A_111 = arith.index_cast %get3A_110 : i32 to index
    %get3A_112 = arith.constant 304 : index
    %get3A_113 = tpu.vector_load %arg5[%get3A_111, %get3A_112] {strides = array<i32>} : memref<2x512xf32, #tpu.memory_space<vmem>>, vector<1x16xf32>,
    %get3A_114 = vector.shape_cast %get3A_113 : vector<1x16xf32> to vector<16xf32>
    %get3A_115 = arith.constant 0 : i32
    %get3A_116 = arith.index_cast %get3A_115 : i32 to index
    %get3A_117 = arith.constant 320 : index
    %get3A_118 = tpu.vector_load %arg5[%get3A_116, %get3A_117] {strides = array<i32>} : memref<2x512xf32, #tpu.memory_space<vmem>>, vector<1x16xf32>,
    %get3A_119 = vector.shape_cast %get3A_118 : vector<1x16xf32> to vector<16xf32>
    %get3A_120 = arith.constant 0 : i32
    %get3A_121 = arith.index_cast %get3A_120 : i32 to index
    %get3A_122 = arith.constant 336 : index
    %get3A_123 = tpu.vector_load %arg5[%get3A_121, %get3A_122] {strides = array<i32>} : memref<2x512xf32, #tpu.memory_space<vmem>>, vector<1x16xf32>,
    %get3A_124 = vector.shape_cast %get3A_123 : vector<1x16xf32> to vector<16xf32>
    %get3A_125 = arith.constant 0 : i32
    %get3A_126 = arith.index_cast %get3A_125 : i32 to index
    %get3A_127 = arith.constant 352 : index
    %get3A_128 = tpu.vector_load %arg5[%get3A_126, %get3A_127] {strides = array<i32>} : memref<2x512xf32, #tpu.memory_space<vmem>>, vector<1x16xf32>,
    %get3A_129 = vector.shape_cast %get3A_128 : vector<1x16xf32> to vector<16xf32>
    %get3A_130 = arith.constant 0 : i32
    %get3A_131 = arith.index_cast %get3A_130 : i32 to index
    %get3A_132 = arith.constant 368 : index
    %get3A_133 = tpu.vector_load %arg5[%get3A_131, %get3A_132] {strides = array<i32>} : memref<2x512xf32, #tpu.memory_space<vmem>>, vector<1x16xf32>,
    %get3A_134 = vector.shape_cast %get3A_133 : vector<1x16xf32> to vector<16xf32>
    %get3A_135 = arith.constant 0 : i32
    %get3A_136 = arith.index_cast %get3A_135 : i32 to index
    %get3A_137 = arith.constant 384 : index
    %get3A_138 = tpu.vector_load %arg5[%get3A_136, %get3A_137] {strides = array<i32>} : memref<2x512xf32, #tpu.memory_space<vmem>>, vector<1x16xf32>,
    %get3A_139 = vector.shape_cast %get3A_138 : vector<1x16xf32> to vector<16xf32>
    %get3A_140 = arith.constant 0 : i32
    %get3A_141 = arith.index_cast %get3A_140 : i32 to index
    %get3A_142 = arith.constant 400 : index
    %get3A_143 = tpu.vector_load %arg5[%get3A_141, %get3A_142] {strides = array<i32>} : memref<2x512xf32, #tpu.memory_space<vmem>>, vector<1x16xf32>,
    %get3A_144 = vector.shape_cast %get3A_143 : vector<1x16xf32> to vector<16xf32>
    %get3A_145 = arith.constant 0 : i32
    %get3A_146 = arith.index_cast %get3A_145 : i32 to index
    %get3A_147 = arith.constant 416 : index
    %get3A_148 = tpu.vector_load %arg5[%get3A_146, %get3A_147] {strides = array<i32>} : memref<2x512xf32, #tpu.memory_space<vmem>>, vector<1x16xf32>,
    %get3A_149 = vector.shape_cast %get3A_148 : vector<1x16xf32> to vector<16xf32>
    %get3A_150 = arith.constant 0 : i32
    %get3A_151 = arith.index_cast %get3A_150 : i32 to index
    %get3A_152 = arith.constant 432 : index
    %get3A_153 = tpu.vector_load %arg5[%get3A_151, %get3A_152] {strides = array<i32>} : memref<2x512xf32, #tpu.memory_space<vmem>>, vector<1x16xf32>,
    %get3A_154 = vector.shape_cast %get3A_153 : vector<1x16xf32> to vector<16xf32>
    %get3A_155 = arith.constant 0 : i32
    %get3A_156 = arith.index_cast %get3A_155 : i32 to index
    %get3A_157 = arith.constant 448 : index
    %get3A_158 = tpu.vector_load %arg5[%get3A_156, %get3A_157] {strides = array<i32>} : memref<2x512xf32, #tpu.memory_space<vmem>>, vector<1x16xf32>,
    %get3A_159 = vector.shape_cast %get3A_158 : vector<1x16xf32> to vector<16xf32>
    %get3A_160 = arith.constant 0 : i32
    %get3A_161 = arith.index_cast %get3A_160 : i32 to index
    %get3A_162 = arith.constant 464 : index
    %get3A_163 = tpu.vector_load %arg5[%get3A_161, %get3A_162] {strides = array<i32>} : memref<2x512xf32, #tpu.memory_space<vmem>>, vector<1x16xf32>,
    %get3A_164 = vector.shape_cast %get3A_163 : vector<1x16xf32> to vector<16xf32>
    %get3A_165 = arith.constant 0 : i32
    %get3A_166 = arith.index_cast %get3A_165 : i32 to index
    %get3A_167 = arith.constant 480 : index
    %get3A_168 = tpu.vector_load %arg5[%get3A_166, %get3A_167] {strides = array<i32>} : memref<2x512xf32, #tpu.memory_space<vmem>>, vector<1x16xf32>,
    %get3A_169 = vector.shape_cast %get3A_168 : vector<1x16xf32> to vector<16xf32>
    %get3A_170 = arith.constant 0 : i32
    %get3A_171 = arith.index_cast %get3A_170 : i32 to index
    %get3A_172 = arith.constant 496 : index
    %get3A_173 = tpu.vector_load %arg5[%get3A_171, %get3A_172] {strides = array<i32>} : memref<2x512xf32, #tpu.memory_space<vmem>>, vector<1x16xf32>,
    %get3A_174 = vector.shape_cast %get3A_173 : vector<1x16xf32> to vector<16xf32>
    %scan3A = arith.constant 0 : i32
    %scan3A_175 = arith.constant 0 : i32
    %scan3A_176 = arith.constant 32 : i32
    %scan3A_177 = arith.addi %scan3A_175, %scan3A_176 : i32
    %scan3A_178 = arith.constant 1 : i32
    scf.for %scan3A_359 = %scan3A_175 to %scan3A_177 step %scan3A_178  : i32 {
      %mul3A_360 = arith.constant 2 : i32
      %mul3A_361 = arith.muli %scan3A_359, %mul3A_360 : i32
      %add3A_362 = arith.constant 0 : i32
      %add3A_363 = arith.addi %mul3A_361, %add3A_362 : i32
      %swap3A = arith.index_cast %add3A_363 : i32 to index
      %swap3A_364 = arith.constant 0 : index
      %swap3A_365 = tpu.vector_load %arg6[%swap3A, %swap3A_364] {strides = array<i32>} : memref<64x512xf32, #tpu.memory_space<vmem>>, vector<1x16xf32>,
      %swap3A_366 = vector.shape_cast %swap3A_365 : vector<1x16xf32> to vector<16xf32>
      %swap3A_367 = vector.shape_cast %get3A_19 : vector<16xf32> to vector<1x16xf32>
      tpu.vector_store %arg6[%swap3A, %swap3A_364], %swap3A_367 {strides = array<i32>} : memref<64x512xf32, #tpu.memory_space<vmem>>, vector<1x16xf32>,
      %mul3A_368 = arith.constant 2 : i32
      %mul3A_369 = arith.muli %scan3A_359, %mul3A_368 : i32
      %add3A_370 = arith.constant 0 : i32
      %add3A_371 = arith.addi %mul3A_369, %add3A_370 : i32
      %swap3A_372 = arith.index_cast %add3A_371 : i32 to index
      %swap3A_373 = arith.constant 16 : index
      %swap3A_374 = tpu.vector_load %arg6[%swap3A_372, %swap3A_373] {strides = array<i32>} : memref<64x512xf32, #tpu.memory_space<vmem>>, vector<1x16xf32>,
      %swap3A_375 = vector.shape_cast %swap3A_374 : vector<1x16xf32> to vector<16xf32>
      %swap3A_376 = vector.shape_cast %get3A_24 : vector<16xf32> to vector<1x16xf32>
      tpu.vector_store %arg6[%swap3A_372, %swap3A_373], %swap3A_376 {strides = array<i32>} : memref<64x512xf32, #tpu.memory_space<vmem>>, vector<1x16xf32>,
      %mul3A_377 = arith.constant 2 : i32
      %mul3A_378 = arith.muli %scan3A_359, %mul3A_377 : i32
      %add3A_379 = arith.constant 0 : i32
      %add3A_380 = arith.addi %mul3A_378, %add3A_379 : i32
      %swap3A_381 = arith.index_cast %add3A_380 : i32 to index
      %swap3A_382 = arith.constant 32 : index
      %swap3A_383 = tpu.vector_load %arg6[%swap3A_381, %swap3A_382] {strides = array<i32>} : memref<64x512xf32, #tpu.memory_space<vmem>>, vector<1x16xf32>,
      %swap3A_384 = vector.shape_cast %swap3A_383 : vector<1x16xf32> to vector<16xf32>
      %swap3A_385 = vector.shape_cast %get3A_29 : vector<16xf32> to vector<1x16xf32>
      tpu.vector_store %arg6[%swap3A_381, %swap3A_382], %swap3A_385 {strides = array<i32>} : memref<64x512xf32, #tpu.memory_space<vmem>>, vector<1x16xf32>,
      %mul3A_386 = arith.constant 2 : i32
      %mul3A_387 = arith.muli %scan3A_359, %mul3A_386 : i32
      %add3A_388 = arith.constant 0 : i32
      %add3A_389 = arith.addi %mul3A_387, %add3A_388 : i32
      %swap3A_390 = arith.index_cast %add3A_389 : i32 to index
      %swap3A_391 = arith.constant 48 : index
      %swap3A_392 = tpu.vector_load %arg6[%swap3A_390, %swap3A_391] {strides = array<i32>} : memref<64x512xf32, #tpu.memory_space<vmem>>, vector<1x16xf32>,
      %swap3A_393 = vector.shape_cast %swap3A_392 : vector<1x16xf32> to vector<16xf32>
      %swap3A_394 = vector.shape_cast %get3A_34 : vector<16xf32> to vector<1x16xf32>
      tpu.vector_store %arg6[%swap3A_390, %swap3A_391], %swap3A_394 {strides = array<i32>} : memref<64x512xf32, #tpu.memory_space<vmem>>, vector<1x16xf32>,
      %mul3A_395 = arith.constant 2 : i32
      %mul3A_396 = arith.muli %scan3A_359, %mul3A_395 : i32
      %add3A_397 = arith.constant 0 : i32
      %add3A_398 = arith.addi %mul3A_396, %add3A_397 : i32
      %swap3A_399 = arith.index_cast %add3A_398 : i32 to index
      %swap3A_400 = arith.constant 64 : index
      %swap3A_401 = tpu.vector_load %arg6[%swap3A_399, %swap3A_400] {strides = array<i32>} : memref<64x512xf32, #tpu.memory_space<vmem>>, vector<1x16xf32>,
      %swap3A_402 = vector.shape_cast %swap3A_401 : vector<1x16xf32> to vector<16xf32>
      %swap3A_403 = vector.shape_cast %get3A_39 : vector<16xf32> to vector<1x16xf32>
      tpu.vector_store %arg6[%swap3A_399, %swap3A_400], %swap3A_403 {strides = array<i32>} : memref<64x512xf32, #tpu.memory_space<vmem>>, vector<1x16xf32>,
      %mul3A_404 = arith.constant 2 : i32
      %mul3A_405 = arith.muli %scan3A_359, %mul3A_404 : i32
      %add3A_406 = arith.constant 0 : i32
      %add3A_407 = arith.addi %mul3A_405, %add3A_406 : i32
      %swap3A_408 = arith.index_cast %add3A_407 : i32 to index
      %swap3A_409 = arith.constant 80 : index
      %swap3A_410 = tpu.vector_load %arg6[%swap3A_408, %swap3A_409] {strides = array<i32>} : memref<64x512xf32, #tpu.memory_space<vmem>>, vector<1x16xf32>,
      %swap3A_411 = vector.shape_cast %swap3A_410 : vector<1x16xf32> to vector<16xf32>
      %swap3A_412 = vector.shape_cast %get3A_44 : vector<16xf32> to vector<1x16xf32>
      tpu.vector_store %arg6[%swap3A_408, %swap3A_409], %swap3A_412 {strides = array<i32>} : memref<64x512xf32, #tpu.memory_space<vmem>>, vector<1x16xf32>,
      %mul3A_413 = arith.constant 2 : i32
      %mul3A_414 = arith.muli %scan3A_359, %mul3A_413 : i32
      %add3A_415 = arith.constant 0 : i32
      %add3A_416 = arith.addi %mul3A_414, %add3A_415 : i32
      %swap3A_417 = arith.index_cast %add3A_416 : i32 to index
      %swap3A_418 = arith.constant 96 : index
      %swap3A_419 = tpu.vector_load %arg6[%swap3A_417, %swap3A_418] {strides = array<i32>} : memref<64x512xf32, #tpu.memory_space<vmem>>, vector<1x16xf32>,
      %swap3A_420 = vector.shape_cast %swap3A_419 : vector<1x16xf32> to vector<16xf32>
      %swap3A_421 = vector.shape_cast %get3A_49 : vector<16xf32> to vector<1x16xf32>
      tpu.vector_store %arg6[%swap3A_417, %swap3A_418], %swap3A_421 {strides = array<i32>} : memref<64x512xf32, #tpu.memory_space<vmem>>, vector<1x16xf32>,
      %mul3A_422 = arith.constant 2 : i32
      %mul3A_423 = arith.muli %scan3A_359, %mul3A_422 : i32
      %add3A_424 = arith.constant 0 : i32
      %add3A_425 = arith.addi %mul3A_423, %add3A_424 : i32
      %swap3A_426 = arith.index_cast %add3A_425 : i32 to index
      %swap3A_427 = arith.constant 112 : index
      %swap3A_428 = tpu.vector_load %arg6[%swap3A_426, %swap3A_427] {strides = array<i32>} : memref<64x512xf32, #tpu.memory_space<vmem>>, vector<1x16xf32>,
      %swap3A_429 = vector.shape_cast %swap3A_428 : vector<1x16xf32> to vector<16xf32>
      %swap3A_430 = vector.shape_cast %get3A_54 : vector<16xf32> to vector<1x16xf32>
      tpu.vector_store %arg6[%swap3A_426, %swap3A_427], %swap3A_430 {strides = array<i32>} : memref<64x512xf32, #tpu.memory_space<vmem>>, vector<1x16xf32>,
      %mul3A_431 = arith.constant 2 : i32
      %mul3A_432 = arith.muli %scan3A_359, %mul3A_431 : i32
      %add3A_433 = arith.constant 0 : i32
      %add3A_434 = arith.addi %mul3A_432, %add3A_433 : i32
      %swap3A_435 = arith.index_cast %add3A_434 : i32 to index
      %swap3A_436 = arith.constant 128 : index
      %swap3A_437 = tpu.vector_load %arg6[%swap3A_435, %swap3A_436] {strides = array<i32>} : memref<64x512xf32, #tpu.memory_space<vmem>>, vector<1x16xf32>,
      %swap3A_438 = vector.shape_cast %swap3A_437 : vector<1x16xf32> to vector<16xf32>
      %swap3A_439 = vector.shape_cast %get3A_59 : vector<16xf32> to vector<1x16xf32>
      tpu.vector_store %arg6[%swap3A_435, %swap3A_436], %swap3A_439 {strides = array<i32>} : memref<64x512xf32, #tpu.memory_space<vmem>>, vector<1x16xf32>,
      %mul3A_440 = arith.constant 2 : i32
      %mul3A_441 = arith.muli %scan3A_359, %mul3A_440 : i32
      %add3A_442 = arith.constant 0 : i32
      %add3A_443 = arith.addi %mul3A_441, %add3A_442 : i32
      %swap3A_444 = arith.index_cast %add3A_443 : i32 to index
      %swap3A_445 = arith.constant 144 : index
      %swap3A_446 = tpu.vector_load %arg6[%swap3A_444, %swap3A_445] {strides = array<i32>} : memref<64x512xf32, #tpu.memory_space<vmem>>, vector<1x16xf32>,
      %swap3A_447 = vector.shape_cast %swap3A_446 : vector<1x16xf32> to vector<16xf32>
      %swap3A_448 = vector.shape_cast %get3A_64 : vector<16xf32> to vector<1x16xf32>
      tpu.vector_store %arg6[%swap3A_444, %swap3A_445], %swap3A_448 {strides = array<i32>} : memref<64x512xf32, #tpu.memory_space<vmem>>, vector<1x16xf32>,
      %mul3A_449 = arith.constant 2 : i32
      %mul3A_450 = arith.muli %scan3A_359, %mul3A_449 : i32
      %add3A_451 = arith.constant 0 : i32
      %add3A_452 = arith.addi %mul3A_450, %add3A_451 : i32
      %swap3A_453 = arith.index_cast %add3A_452 : i32 to index
      %swap3A_454 = arith.constant 160 : index
      %swap3A_455 = tpu.vector_load %arg6[%swap3A_453, %swap3A_454] {strides = array<i32>} : memref<64x512xf32, #tpu.memory_space<vmem>>, vector<1x16xf32>,
      %swap3A_456 = vector.shape_cast %swap3A_455 : vector<1x16xf32> to vector<16xf32>
      %swap3A_457 = vector.shape_cast %get3A_69 : vector<16xf32> to vector<1x16xf32>
      tpu.vector_store %arg6[%swap3A_453, %swap3A_454], %swap3A_457 {strides = array<i32>} : memref<64x512xf32, #tpu.memory_space<vmem>>, vector<1x16xf32>,
      %mul3A_458 = arith.constant 2 : i32
      %mul3A_459 = arith.muli %scan3A_359, %mul3A_458 : i32
      %add3A_460 = arith.constant 0 : i32
      %add3A_461 = arith.addi %mul3A_459, %add3A_460 : i32
      %swap3A_462 = arith.index_cast %add3A_461 : i32 to index
      %swap3A_463 = arith.constant 176 : index
      %swap3A_464 = tpu.vector_load %arg6[%swap3A_462, %swap3A_463] {strides = array<i32>} : memref<64x512xf32, #tpu.memory_space<vmem>>, vector<1x16xf32>,
      %swap3A_465 = vector.shape_cast %swap3A_464 : vector<1x16xf32> to vector<16xf32>
      %swap3A_466 = vector.shape_cast %get3A_74 : vector<16xf32> to vector<1x16xf32>
      tpu.vector_store %arg6[%swap3A_462, %swap3A_463], %swap3A_466 {strides = array<i32>} : memref<64x512xf32, #tpu.memory_space<vmem>>, vector<1x16xf32>,
      %mul3A_467 = arith.constant 2 : i32
      %mul3A_468 = arith.muli %scan3A_359, %mul3A_467 : i32
      %add3A_469 = arith.constant 0 : i32
      %add3A_470 = arith.addi %mul3A_468, %add3A_469 : i32
      %swap3A_471 = arith.index_cast %add3A_470 : i32 to index
      %swap3A_472 = arith.constant 192 : index
      %swap3A_473 = tpu.vector_load %arg6[%swap3A_471, %swap3A_472] {strides = array<i32>} : memref<64x512xf32, #tpu.memory_space<vmem>>, vector<1x16xf32>,
      %swap3A_474 = vector.shape_cast %swap3A_473 : vector<1x16xf32> to vector<16xf32>
      %swap3A_475 = vector.shape_cast %get3A_79 : vector<16xf32> to vector<1x16xf32>
      tpu.vector_store %arg6[%swap3A_471, %swap3A_472], %swap3A_475 {strides = array<i32>} : memref<64x512xf32, #tpu.memory_space<vmem>>, vector<1x16xf32>,
      %mul3A_476 = arith.constant 2 : i32
      %mul3A_477 = arith.muli %scan3A_359, %mul3A_476 : i32
      %add3A_478 = arith.constant 0 : i32
      %add3A_479 = arith.addi %mul3A_477, %add3A_478 : i32
      %swap3A_480 = arith.index_cast %add3A_479 : i32 to index
      %swap3A_481 = arith.constant 208 : index
      %swap3A_482 = tpu.vector_load %arg6[%swap3A_480, %swap3A_481] {strides = array<i32>} : memref<64x512xf32, #tpu.memory_space<vmem>>, vector<1x16xf32>,
      %swap3A_483 = vector.shape_cast %swap3A_482 : vector<1x16xf32> to vector<16xf32>
      %swap3A_484 = vector.shape_cast %get3A_84 : vector<16xf32> to vector<1x16xf32>
      tpu.vector_store %arg6[%swap3A_480, %swap3A_481], %swap3A_484 {strides = array<i32>} : memref<64x512xf32, #tpu.memory_space<vmem>>, vector<1x16xf32>,
      %mul3A_485 = arith.constant 2 : i32
      %mul3A_486 = arith.muli %scan3A_359, %mul3A_485 : i32
      %add3A_487 = arith.constant 0 : i32
      %add3A_488 = arith.addi %mul3A_486, %add3A_487 : i32
      %swap3A_489 = arith.index_cast %add3A_488 : i32 to index
      %swap3A_490 = arith.constant 224 : index
      %swap3A_491 = tpu.vector_load %arg6[%swap3A_489, %swap3A_490] {strides = array<i32>} : memref<64x512xf32, #tpu.memory_space<vmem>>, vector<1x16xf32>,
      %swap3A_492 = vector.shape_cast %swap3A_491 : vector<1x16xf32> to vector<16xf32>
      %swap3A_493 = vector.shape_cast %get3A_89 : vector<16xf32> to vector<1x16xf32>
      tpu.vector_store %arg6[%swap3A_489, %swap3A_490], %swap3A_493 {strides = array<i32>} : memref<64x512xf32, #tpu.memory_space<vmem>>, vector<1x16xf32>,
      %mul3A_494 = arith.constant 2 : i32
      %mul3A_495 = arith.muli %scan3A_359, %mul3A_494 : i32
      %add3A_496 = arith.constant 0 : i32
      %add3A_497 = arith.addi %mul3A_495, %add3A_496 : i32
      %swap3A_498 = arith.index_cast %add3A_497 : i32 to index
      %swap3A_499 = arith.constant 240 : index
      %swap3A_500 = tpu.vector_load %arg6[%swap3A_498, %swap3A_499] {strides = array<i32>} : memref<64x512xf32, #tpu.memory_space<vmem>>, vector<1x16xf32>,
      %swap3A_501 = vector.shape_cast %swap3A_500 : vector<1x16xf32> to vector<16xf32>
      %swap3A_502 = vector.shape_cast %get3A_94 : vector<16xf32> to vector<1x16xf32>
      tpu.vector_store %arg6[%swap3A_498, %swap3A_499], %swap3A_502 {strides = array<i32>} : memref<64x512xf32, #tpu.memory_space<vmem>>, vector<1x16xf32>,
      %mul3A_503 = arith.constant 2 : i32
      %mul3A_504 = arith.muli %scan3A_359, %mul3A_503 : i32
      %add3A_505 = arith.constant 0 : i32
      %add3A_506 = arith.addi %mul3A_504, %add3A_505 : i32
      %swap3A_507 = arith.index_cast %add3A_506 : i32 to index
      %swap3A_508 = arith.constant 256 : index
      %swap3A_509 = tpu.vector_load %arg6[%swap3A_507, %swap3A_508] {strides = array<i32>} : memref<64x512xf32, #tpu.memory_space<vmem>>, vector<1x16xf32>,
      %swap3A_510 = vector.shape_cast %swap3A_509 : vector<1x16xf32> to vector<16xf32>
      %swap3A_511 = vector.shape_cast %get3A_99 : vector<16xf32> to vector<1x16xf32>
      tpu.vector_store %arg6[%swap3A_507, %swap3A_508], %swap3A_511 {strides = array<i32>} : memref<64x512xf32, #tpu.memory_space<vmem>>, vector<1x16xf32>,
      %mul3A_512 = arith.constant 2 : i32
      %mul3A_513 = arith.muli %scan3A_359, %mul3A_512 : i32
      %add3A_514 = arith.constant 0 : i32
      %add3A_515 = arith.addi %mul3A_513, %add3A_514 : i32
      %swap3A_516 = arith.index_cast %add3A_515 : i32 to index
      %swap3A_517 = arith.constant 272 : index
      %swap3A_518 = tpu.vector_load %arg6[%swap3A_516, %swap3A_517] {strides = array<i32>} : memref<64x512xf32, #tpu.memory_space<vmem>>, vector<1x16xf32>,
      %swap3A_519 = vector.shape_cast %swap3A_518 : vector<1x16xf32> to vector<16xf32>
      %swap3A_520 = vector.shape_cast %get3A_104 : vector<16xf32> to vector<1x16xf32>
      tpu.vector_store %arg6[%swap3A_516, %swap3A_517], %swap3A_520 {strides = array<i32>} : memref<64x512xf32, #tpu.memory_space<vmem>>, vector<1x16xf32>,
      %mul3A_521 = arith.constant 2 : i32
      %mul3A_522 = arith.muli %scan3A_359, %mul3A_521 : i32
      %add3A_523 = arith.constant 0 : i32
      %add3A_524 = arith.addi %mul3A_522, %add3A_523 : i32
      %swap3A_525 = arith.index_cast %add3A_524 : i32 to index
      %swap3A_526 = arith.constant 288 : index
      %swap3A_527 = tpu.vector_load %arg6[%swap3A_525, %swap3A_526] {strides = array<i32>} : memref<64x512xf32, #tpu.memory_space<vmem>>, vector<1x16xf32>,
      %swap3A_528 = vector.shape_cast %swap3A_527 : vector<1x16xf32> to vector<16xf32>
      %swap3A_529 = vector.shape_cast %get3A_109 : vector<16xf32> to vector<1x16xf32>
      tpu.vector_store %arg6[%swap3A_525, %swap3A_526], %swap3A_529 {strides = array<i32>} : memref<64x512xf32, #tpu.memory_space<vmem>>, vector<1x16xf32>,
      %mul3A_530 = arith.constant 2 : i32
      %mul3A_531 = arith.muli %scan3A_359, %mul3A_530 : i32
      %add3A_532 = arith.constant 0 : i32
      %add3A_533 = arith.addi %mul3A_531, %add3A_532 : i32
      %swap3A_534 = arith.index_cast %add3A_533 : i32 to index
      %swap3A_535 = arith.constant 304 : index
      %swap3A_536 = tpu.vector_load %arg6[%swap3A_534, %swap3A_535] {strides = array<i32>} : memref<64x512xf32, #tpu.memory_space<vmem>>, vector<1x16xf32>,
      %swap3A_537 = vector.shape_cast %swap3A_536 : vector<1x16xf32> to vector<16xf32>
      %swap3A_538 = vector.shape_cast %get3A_114 : vector<16xf32> to vector<1x16xf32>
      tpu.vector_store %arg6[%swap3A_534, %swap3A_535], %swap3A_538 {strides = array<i32>} : memref<64x512xf32, #tpu.memory_space<vmem>>, vector<1x16xf32>,
      %mul3A_539 = arith.constant 2 : i32
      %mul3A_540 = arith.muli %scan3A_359, %mul3A_539 : i32
      %add3A_541 = arith.constant 0 : i32
      %add3A_542 = arith.addi %mul3A_540, %add3A_541 : i32
      %swap3A_543 = arith.index_cast %add3A_542 : i32 to index
      %swap3A_544 = arith.constant 320 : index
      %swap3A_545 = tpu.vector_load %arg6[%swap3A_543, %swap3A_544] {strides = array<i32>} : memref<64x512xf32, #tpu.memory_space<vmem>>, vector<1x16xf32>,
      %swap3A_546 = vector.shape_cast %swap3A_545 : vector<1x16xf32> to vector<16xf32>
      %swap3A_547 = vector.shape_cast %get3A_119 : vector<16xf32> to vector<1x16xf32>
      tpu.vector_store %arg6[%swap3A_543, %swap3A_544], %swap3A_547 {strides = array<i32>} : memref<64x512xf32, #tpu.memory_space<vmem>>, vector<1x16xf32>,
      %mul3A_548 = arith.constant 2 : i32
      %mul3A_549 = arith.muli %scan3A_359, %mul3A_548 : i32
      %add3A_550 = arith.constant 0 : i32
      %add3A_551 = arith.addi %mul3A_549, %add3A_550 : i32
      %swap3A_552 = arith.index_cast %add3A_551 : i32 to index
      %swap3A_553 = arith.constant 336 : index
      %swap3A_554 = tpu.vector_load %arg6[%swap3A_552, %swap3A_553] {strides = array<i32>} : memref<64x512xf32, #tpu.memory_space<vmem>>, vector<1x16xf32>,
      %swap3A_555 = vector.shape_cast %swap3A_554 : vector<1x16xf32> to vector<16xf32>
      %swap3A_556 = vector.shape_cast %get3A_124 : vector<16xf32> to vector<1x16xf32>
      tpu.vector_store %arg6[%swap3A_552, %swap3A_553], %swap3A_556 {strides = array<i32>} : memref<64x512xf32, #tpu.memory_space<vmem>>, vector<1x16xf32>,
      %mul3A_557 = arith.constant 2 : i32
      %mul3A_558 = arith.muli %scan3A_359, %mul3A_557 : i32
      %add3A_559 = arith.constant 0 : i32
      %add3A_560 = arith.addi %mul3A_558, %add3A_559 : i32
      %swap3A_561 = arith.index_cast %add3A_560 : i32 to index
      %swap3A_562 = arith.constant 352 : index
      %swap3A_563 = tpu.vector_load %arg6[%swap3A_561, %swap3A_562] {strides = array<i32>} : memref<64x512xf32, #tpu.memory_space<vmem>>, vector<1x16xf32>,
      %swap3A_564 = vector.shape_cast %swap3A_563 : vector<1x16xf32> to vector<16xf32>
      %swap3A_565 = vector.shape_cast %get3A_129 : vector<16xf32> to vector<1x16xf32>
      tpu.vector_store %arg6[%swap3A_561, %swap3A_562], %swap3A_565 {strides = array<i32>} : memref<64x512xf32, #tpu.memory_space<vmem>>, vector<1x16xf32>,
      %mul3A_566 = arith.constant 2 : i32
      %mul3A_567 = arith.muli %scan3A_359, %mul3A_566 : i32
      %add3A_568 = arith.constant 0 : i32
      %add3A_569 = arith.addi %mul3A_567, %add3A_568 : i32
      %swap3A_570 = arith.index_cast %add3A_569 : i32 to index
      %swap3A_571 = arith.constant 368 : index
      %swap3A_572 = tpu.vector_load %arg6[%swap3A_570, %swap3A_571] {strides = array<i32>} : memref<64x512xf32, #tpu.memory_space<vmem>>, vector<1x16xf32>,
      %swap3A_573 = vector.shape_cast %swap3A_572 : vector<1x16xf32> to vector<16xf32>
      %swap3A_574 = vector.shape_cast %get3A_134 : vector<16xf32> to vector<1x16xf32>
      tpu.vector_store %arg6[%swap3A_570, %swap3A_571], %swap3A_574 {strides = array<i32>} : memref<64x512xf32, #tpu.memory_space<vmem>>, vector<1x16xf32>,
      %mul3A_575 = arith.constant 2 : i32
      %mul3A_576 = arith.muli %scan3A_359, %mul3A_575 : i32
      %add3A_577 = arith.constant 0 : i32
      %add3A_578 = arith.addi %mul3A_576, %add3A_577 : i32
      %swap3A_579 = arith.index_cast %add3A_578 : i32 to index
      %swap3A_580 = arith.constant 384 : index
      %swap3A_581 = tpu.vector_load %arg6[%swap3A_579, %swap3A_580] {strides = array<i32>} : memref<64x512xf32, #tpu.memory_space<vmem>>, vector<1x16xf32>,
      %swap3A_582 = vector.shape_cast %swap3A_581 : vector<1x16xf32> to vector<16xf32>
      %swap3A_583 = vector.shape_cast %get3A_139 : vector<16xf32> to vector<1x16xf32>
      tpu.vector_store %arg6[%swap3A_579, %swap3A_580], %swap3A_583 {strides = array<i32>} : memref<64x512xf32, #tpu.memory_space<vmem>>, vector<1x16xf32>,
      %mul3A_584 = arith.constant 2 : i32
      %mul3A_585 = arith.muli %scan3A_359, %mul3A_584 : i32
      %add3A_586 = arith.constant 0 : i32
      %add3A_587 = arith.addi %mul3A_585, %add3A_586 : i32
      %swap3A_588 = arith.index_cast %add3A_587 : i32 to index
      %swap3A_589 = arith.constant 400 : index
      %swap3A_590 = tpu.vector_load %arg6[%swap3A_588, %swap3A_589] {strides = array<i32>} : memref<64x512xf32, #tpu.memory_space<vmem>>, vector<1x16xf32>,
      %swap3A_591 = vector.shape_cast %swap3A_590 : vector<1x16xf32> to vector<16xf32>
      %swap3A_592 = vector.shape_cast %get3A_144 : vector<16xf32> to vector<1x16xf32>
      tpu.vector_store %arg6[%swap3A_588, %swap3A_589], %swap3A_592 {strides = array<i32>} : memref<64x512xf32, #tpu.memory_space<vmem>>, vector<1x16xf32>,
      %mul3A_593 = arith.constant 2 : i32
      %mul3A_594 = arith.muli %scan3A_359, %mul3A_593 : i32
      %add3A_595 = arith.constant 0 : i32
      %add3A_596 = arith.addi %mul3A_594, %add3A_595 : i32
      %swap3A_597 = arith.index_cast %add3A_596 : i32 to index
      %swap3A_598 = arith.constant 416 : index
      %swap3A_599 = tpu.vector_load %arg6[%swap3A_597, %swap3A_598] {strides = array<i32>} : memref<64x512xf32, #tpu.memory_space<vmem>>, vector<1x16xf32>,
      %swap3A_600 = vector.shape_cast %swap3A_599 : vector<1x16xf32> to vector<16xf32>
      %swap3A_601 = vector.shape_cast %get3A_149 : vector<16xf32> to vector<1x16xf32>
      tpu.vector_store %arg6[%swap3A_597, %swap3A_598], %swap3A_601 {strides = array<i32>} : memref<64x512xf32, #tpu.memory_space<vmem>>, vector<1x16xf32>,
      %mul3A_602 = arith.constant 2 : i32
      %mul3A_603 = arith.muli %scan3A_359, %mul3A_602 : i32
      %add3A_604 = arith.constant 0 : i32
      %add3A_605 = arith.addi %mul3A_603, %add3A_604 : i32
      %swap3A_606 = arith.index_cast %add3A_605 : i32 to index
      %swap3A_607 = arith.constant 432 : index
      %swap3A_608 = tpu.vector_load %arg6[%swap3A_606, %swap3A_607] {strides = array<i32>} : memref<64x512xf32, #tpu.memory_space<vmem>>, vector<1x16xf32>,
      %swap3A_609 = vector.shape_cast %swap3A_608 : vector<1x16xf32> to vector<16xf32>
      %swap3A_610 = vector.shape_cast %get3A_154 : vector<16xf32> to vector<1x16xf32>
      tpu.vector_store %arg6[%swap3A_606, %swap3A_607], %swap3A_610 {strides = array<i32>} : memref<64x512xf32, #tpu.memory_space<vmem>>, vector<1x16xf32>,
      %mul3A_611 = arith.constant 2 : i32
      %mul3A_612 = arith.muli %scan3A_359, %mul3A_611 : i32
      %add3A_613 = arith.constant 0 : i32
      %add3A_614 = arith.addi %mul3A_612, %add3A_613 : i32
      %swap3A_615 = arith.index_cast %add3A_614 : i32 to index
      %swap3A_616 = arith.constant 448 : index
      %swap3A_617 = tpu.vector_load %arg6[%swap3A_615, %swap3A_616] {strides = array<i32>} : memref<64x512xf32, #tpu.memory_space<vmem>>, vector<1x16xf32>,
      %swap3A_618 = vector.shape_cast %swap3A_617 : vector<1x16xf32> to vector<16xf32>
      %swap3A_619 = vector.shape_cast %get3A_159 : vector<16xf32> to vector<1x16xf32>
      tpu.vector_store %arg6[%swap3A_615, %swap3A_616], %swap3A_619 {strides = array<i32>} : memref<64x512xf32, #tpu.memory_space<vmem>>, vector<1x16xf32>,
      %mul3A_620 = arith.constant 2 : i32
      %mul3A_621 = arith.muli %scan3A_359, %mul3A_620 : i32
      %add3A_622 = arith.constant 0 : i32
      %add3A_623 = arith.addi %mul3A_621, %add3A_622 : i32
      %swap3A_624 = arith.index_cast %add3A_623 : i32 to index
      %swap3A_625 = arith.constant 464 : index
      %swap3A_626 = tpu.vector_load %arg6[%swap3A_624, %swap3A_625] {strides = array<i32>} : memref<64x512xf32, #tpu.memory_space<vmem>>, vector<1x16xf32>,
      %swap3A_627 = vector.shape_cast %swap3A_626 : vector<1x16xf32> to vector<16xf32>
      %swap3A_628 = vector.shape_cast %get3A_164 : vector<16xf32> to vector<1x16xf32>
      tpu.vector_store %arg6[%swap3A_624, %swap3A_625], %swap3A_628 {strides = array<i32>} : memref<64x512xf32, #tpu.memory_space<vmem>>, vector<1x16xf32>,
      %mul3A_629 = arith.constant 2 : i32
      %mul3A_630 = arith.muli %scan3A_359, %mul3A_629 : i32
      %add3A_631 = arith.constant 0 : i32
      %add3A_632 = arith.addi %mul3A_630, %add3A_631 : i32
      %swap3A_633 = arith.index_cast %add3A_632 : i32 to index
      %swap3A_634 = arith.constant 480 : index
      %swap3A_635 = tpu.vector_load %arg6[%swap3A_633, %swap3A_634] {strides = array<i32>} : memref<64x512xf32, #tpu.memory_space<vmem>>, vector<1x16xf32>,
      %swap3A_636 = vector.shape_cast %swap3A_635 : vector<1x16xf32> to vector<16xf32>
      %swap3A_637 = vector.shape_cast %get3A_169 : vector<16xf32> to vector<1x16xf32>
      tpu.vector_store %arg6[%swap3A_633, %swap3A_634], %swap3A_637 {strides = array<i32>} : memref<64x512xf32, #tpu.memory_space<vmem>>, vector<1x16xf32>,
      %mul3A_638 = arith.constant 2 : i32
      %mul3A_639 = arith.muli %scan3A_359, %mul3A_638 : i32
      %add3A_640 = arith.constant 0 : i32
      %add3A_641 = arith.addi %mul3A_639, %add3A_640 : i32
      %swap3A_642 = arith.index_cast %add3A_641 : i32 to index
      %swap3A_643 = arith.constant 496 : index
      %swap3A_644 = tpu.vector_load %arg6[%swap3A_642, %swap3A_643] {strides = array<i32>} : memref<64x512xf32, #tpu.memory_space<vmem>>, vector<1x16xf32>,
      %swap3A_645 = vector.shape_cast %swap3A_644 : vector<1x16xf32> to vector<16xf32>
      %swap3A_646 = vector.shape_cast %get3A_174 : vector<16xf32> to vector<1x16xf32>
      tpu.vector_store %arg6[%swap3A_642, %swap3A_643], %swap3A_646 {strides = array<i32>} : memref<64x512xf32, #tpu.memory_space<vmem>>, vector<1x16xf32>,
      %mul3A_647 = arith.constant 2 : i32
      %mul3A_648 = arith.muli %scan3A_359, %mul3A_647 : i32
      %add3A_649 = arith.constant 1 : i32
      %add3A_650 = arith.addi %mul3A_648, %add3A_649 : i32
      %swap3A_651 = arith.index_cast %add3A_650 : i32 to index
      %swap3A_652 = arith.constant 0 : index
      %swap3A_653 = tpu.vector_load %arg6[%swap3A_651, %swap3A_652] {strides = array<i32>} : memref<64x512xf32, #tpu.memory_space<vmem>>, vector<1x16xf32>,
      %swap3A_654 = vector.shape_cast %swap3A_653 : vector<1x16xf32> to vector<16xf32>
      %swap3A_655 = vector.shape_cast %get3A_19 : vector<16xf32> to vector<1x16xf32>
      tpu.vector_store %arg6[%swap3A_651, %swap3A_652], %swap3A_655 {strides = array<i32>} : memref<64x512xf32, #tpu.memory_space<vmem>>, vector<1x16xf32>,
      %mul3A_656 = arith.constant 2 : i32
      %mul3A_657 = arith.muli %scan3A_359, %mul3A_656 : i32
      %add3A_658 = arith.constant 1 : i32
      %add3A_659 = arith.addi %mul3A_657, %add3A_658 : i32
      %swap3A_660 = arith.index_cast %add3A_659 : i32 to index
      %swap3A_661 = arith.constant 16 : index
      %swap3A_662 = tpu.vector_load %arg6[%swap3A_660, %swap3A_661] {strides = array<i32>} : memref<64x512xf32, #tpu.memory_space<vmem>>, vector<1x16xf32>,
      %swap3A_663 = vector.shape_cast %swap3A_662 : vector<1x16xf32> to vector<16xf32>
      %swap3A_664 = vector.shape_cast %get3A_24 : vector<16xf32> to vector<1x16xf32>
      tpu.vector_store %arg6[%swap3A_660, %swap3A_661], %swap3A_664 {strides = array<i32>} : memref<64x512xf32, #tpu.memory_space<vmem>>, vector<1x16xf32>,
      %mul3A_665 = arith.constant 2 : i32
      %mul3A_666 = arith.muli %scan3A_359, %mul3A_665 : i32
      %add3A_667 = arith.constant 1 : i32
      %add3A_668 = arith.addi %mul3A_666, %add3A_667 : i32
      %swap3A_669 = arith.index_cast %add3A_668 : i32 to index
      %swap3A_670 = arith.constant 32 : index
      %swap3A_671 = tpu.vector_load %arg6[%swap3A_669, %swap3A_670] {strides = array<i32>} : memref<64x512xf32, #tpu.memory_space<vmem>>, vector<1x16xf32>,
      %swap3A_672 = vector.shape_cast %swap3A_671 : vector<1x16xf32> to vector<16xf32>
      %swap3A_673 = vector.shape_cast %get3A_29 : vector<16xf32> to vector<1x16xf32>
      tpu.vector_store %arg6[%swap3A_669, %swap3A_670], %swap3A_673 {strides = array<i32>} : memref<64x512xf32, #tpu.memory_space<vmem>>, vector<1x16xf32>,
      %mul3A_674 = arith.constant 2 : i32
      %mul3A_675 = arith.muli %scan3A_359, %mul3A_674 : i32
      %add3A_676 = arith.constant 1 : i32
      %add3A_677 = arith.addi %mul3A_675, %add3A_676 : i32
      %swap3A_678 = arith.index_cast %add3A_677 : i32 to index
      %swap3A_679 = arith.constant 48 : index
      %swap3A_680 = tpu.vector_load %arg6[%swap3A_678, %swap3A_679] {strides = array<i32>} : memref<64x512xf32, #tpu.memory_space<vmem>>, vector<1x16xf32>,
      %swap3A_681 = vector.shape_cast %swap3A_680 : vector<1x16xf32> to vector<16xf32>
      %swap3A_682 = vector.shape_cast %get3A_34 : vector<16xf32> to vector<1x16xf32>
      tpu.vector_store %arg6[%swap3A_678, %swap3A_679], %swap3A_682 {strides = array<i32>} : memref<64x512xf32, #tpu.memory_space<vmem>>, vector<1x16xf32>,
      %mul3A_683 = arith.constant 2 : i32
      %mul3A_684 = arith.muli %scan3A_359, %mul3A_683 : i32
      %add3A_685 = arith.constant 1 : i32
      %add3A_686 = arith.addi %mul3A_684, %add3A_685 : i32
      %swap3A_687 = arith.index_cast %add3A_686 : i32 to index
      %swap3A_688 = arith.constant 64 : index
      %swap3A_689 = tpu.vector_load %arg6[%swap3A_687, %swap3A_688] {strides = array<i32>} : memref<64x512xf32, #tpu.memory_space<vmem>>, vector<1x16xf32>,
      %swap3A_690 = vector.shape_cast %swap3A_689 : vector<1x16xf32> to vector<16xf32>
      %swap3A_691 = vector.shape_cast %get3A_39 : vector<16xf32> to vector<1x16xf32>
      tpu.vector_store %arg6[%swap3A_687, %swap3A_688], %swap3A_691 {strides = array<i32>} : memref<64x512xf32, #tpu.memory_space<vmem>>, vector<1x16xf32>,
      %mul3A_692 = arith.constant 2 : i32
      %mul3A_693 = arith.muli %scan3A_359, %mul3A_692 : i32
      %add3A_694 = arith.constant 1 : i32
      %add3A_695 = arith.addi %mul3A_693, %add3A_694 : i32
      %swap3A_696 = arith.index_cast %add3A_695 : i32 to index
      %swap3A_697 = arith.constant 80 : index
      %swap3A_698 = tpu.vector_load %arg6[%swap3A_696, %swap3A_697] {strides = array<i32>} : memref<64x512xf32, #tpu.memory_space<vmem>>, vector<1x16xf32>,
      %swap3A_699 = vector.shape_cast %swap3A_698 : vector<1x16xf32> to vector<16xf32>
      %swap3A_700 = vector.shape_cast %get3A_44 : vector<16xf32> to vector<1x16xf32>
      tpu.vector_store %arg6[%swap3A_696, %swap3A_697], %swap3A_700 {strides = array<i32>} : memref<64x512xf32, #tpu.memory_space<vmem>>, vector<1x16xf32>,
      %mul3A_701 = arith.constant 2 : i32
      %mul3A_702 = arith.muli %scan3A_359, %mul3A_701 : i32
      %add3A_703 = arith.constant 1 : i32
      %add3A_704 = arith.addi %mul3A_702, %add3A_703 : i32
      %swap3A_705 = arith.index_cast %add3A_704 : i32 to index
      %swap3A_706 = arith.constant 96 : index
      %swap3A_707 = tpu.vector_load %arg6[%swap3A_705, %swap3A_706] {strides = array<i32>} : memref<64x512xf32, #tpu.memory_space<vmem>>, vector<1x16xf32>,
      %swap3A_708 = vector.shape_cast %swap3A_707 : vector<1x16xf32> to vector<16xf32>
      %swap3A_709 = vector.shape_cast %get3A_49 : vector<16xf32> to vector<1x16xf32>
      tpu.vector_store %arg6[%swap3A_705, %swap3A_706], %swap3A_709 {strides = array<i32>} : memref<64x512xf32, #tpu.memory_space<vmem>>, vector<1x16xf32>,
      %mul3A_710 = arith.constant 2 : i32
      %mul3A_711 = arith.muli %scan3A_359, %mul3A_710 : i32
      %add3A_712 = arith.constant 1 : i32
      %add3A_713 = arith.addi %mul3A_711, %add3A_712 : i32
      %swap3A_714 = arith.index_cast %add3A_713 : i32 to index
      %swap3A_715 = arith.constant 112 : index
      %swap3A_716 = tpu.vector_load %arg6[%swap3A_714, %swap3A_715] {strides = array<i32>} : memref<64x512xf32, #tpu.memory_space<vmem>>, vector<1x16xf32>,
      %swap3A_717 = vector.shape_cast %swap3A_716 : vector<1x16xf32> to vector<16xf32>
      %swap3A_718 = vector.shape_cast %get3A_54 : vector<16xf32> to vector<1x16xf32>
      tpu.vector_store %arg6[%swap3A_714, %swap3A_715], %swap3A_718 {strides = array<i32>} : memref<64x512xf32, #tpu.memory_space<vmem>>, vector<1x16xf32>,
      %mul3A_719 = arith.constant 2 : i32
      %mul3A_720 = arith.muli %scan3A_359, %mul3A_719 : i32
      %add3A_721 = arith.constant 1 : i32
      %add3A_722 = arith.addi %mul3A_720, %add3A_721 : i32
      %swap3A_723 = arith.index_cast %add3A_722 : i32 to index
      %swap3A_724 = arith.constant 128 : index
      %swap3A_725 = tpu.vector_load %arg6[%swap3A_723, %swap3A_724] {strides = array<i32>} : memref<64x512xf32, #tpu.memory_space<vmem>>, vector<1x16xf32>,
      %swap3A_726 = vector.shape_cast %swap3A_725 : vector<1x16xf32> to vector<16xf32>
      %swap3A_727 = vector.shape_cast %get3A_59 : vector<16xf32> to vector<1x16xf32>
      tpu.vector_store %arg6[%swap3A_723, %swap3A_724], %swap3A_727 {strides = array<i32>} : memref<64x512xf32, #tpu.memory_space<vmem>>, vector<1x16xf32>,
      %mul3A_728 = arith.constant 2 : i32
      %mul3A_729 = arith.muli %scan3A_359, %mul3A_728 : i32
      %add3A_730 = arith.constant 1 : i32
      %add3A_731 = arith.addi %mul3A_729, %add3A_730 : i32
      %swap3A_732 = arith.index_cast %add3A_731 : i32 to index
      %swap3A_733 = arith.constant 144 : index
      %swap3A_734 = tpu.vector_load %arg6[%swap3A_732, %swap3A_733] {strides = array<i32>} : memref<64x512xf32, #tpu.memory_space<vmem>>, vector<1x16xf32>,
      %swap3A_735 = vector.shape_cast %swap3A_734 : vector<1x16xf32> to vector<16xf32>
      %swap3A_736 = vector.shape_cast %get3A_64 : vector<16xf32> to vector<1x16xf32>
      tpu.vector_store %arg6[%swap3A_732, %swap3A_733], %swap3A_736 {strides = array<i32>} : memref<64x512xf32, #tpu.memory_space<vmem>>, vector<1x16xf32>,
      %mul3A_737 = arith.constant 2 : i32
      %mul3A_738 = arith.muli %scan3A_359, %mul3A_737 : i32
      %add3A_739 = arith.constant 1 : i32
      %add3A_740 = arith.addi %mul3A_738, %add3A_739 : i32
      %swap3A_741 = arith.index_cast %add3A_740 : i32 to index
      %swap3A_742 = arith.constant 160 : index
      %swap3A_743 = tpu.vector_load %arg6[%swap3A_741, %swap3A_742] {strides = array<i32>} : memref<64x512xf32, #tpu.memory_space<vmem>>, vector<1x16xf32>,
      %swap3A_744 = vector.shape_cast %swap3A_743 : vector<1x16xf32> to vector<16xf32>
      %swap3A_745 = vector.shape_cast %get3A_69 : vector<16xf32> to vector<1x16xf32>
      tpu.vector_store %arg6[%swap3A_741, %swap3A_742], %swap3A_745 {strides = array<i32>} : memref<64x512xf32, #tpu.memory_space<vmem>>, vector<1x16xf32>,
      %mul3A_746 = arith.constant 2 : i32
      %mul3A_747 = arith.muli %scan3A_359, %mul3A_746 : i32
      %add3A_748 = arith.constant 1 : i32
      %add3A_749 = arith.addi %mul3A_747, %add3A_748 : i32
      %swap3A_750 = arith.index_cast %add3A_749 : i32 to index
      %swap3A_751 = arith.constant 176 : index
      %swap3A_752 = tpu.vector_load %arg6[%swap3A_750, %swap3A_751] {strides = array<i32>} : memref<64x512xf32, #tpu.memory_space<vmem>>, vector<1x16xf32>,
      %swap3A_753 = vector.shape_cast %swap3A_752 : vector<1x16xf32> to vector<16xf32>
      %swap3A_754 = vector.shape_cast %get3A_74 : vector<16xf32> to vector<1x16xf32>
      tpu.vector_store %arg6[%swap3A_750, %swap3A_751], %swap3A_754 {strides = array<i32>} : memref<64x512xf32, #tpu.memory_space<vmem>>, vector<1x16xf32>,
      %mul3A_755 = arith.constant 2 : i32
      %mul3A_756 = arith.muli %scan3A_359, %mul3A_755 : i32
      %add3A_757 = arith.constant 1 : i32
      %add3A_758 = arith.addi %mul3A_756, %add3A_757 : i32
      %swap3A_759 = arith.index_cast %add3A_758 : i32 to index
      %swap3A_760 = arith.constant 192 : index
      %swap3A_761 = tpu.vector_load %arg6[%swap3A_759, %swap3A_760] {strides = array<i32>} : memref<64x512xf32, #tpu.memory_space<vmem>>, vector<1x16xf32>,
      %swap3A_762 = vector.shape_cast %swap3A_761 : vector<1x16xf32> to vector<16xf32>
      %swap3A_763 = vector.shape_cast %get3A_79 : vector<16xf32> to vector<1x16xf32>
      tpu.vector_store %arg6[%swap3A_759, %swap3A_760], %swap3A_763 {strides = array<i32>} : memref<64x512xf32, #tpu.memory_space<vmem>>, vector<1x16xf32>,
      %mul3A_764 = arith.constant 2 : i32
      %mul3A_765 = arith.muli %scan3A_359, %mul3A_764 : i32
      %add3A_766 = arith.constant 1 : i32
      %add3A_767 = arith.addi %mul3A_765, %add3A_766 : i32
      %swap3A_768 = arith.index_cast %add3A_767 : i32 to index
      %swap3A_769 = arith.constant 208 : index
      %swap3A_770 = tpu.vector_load %arg6[%swap3A_768, %swap3A_769] {strides = array<i32>} : memref<64x512xf32, #tpu.memory_space<vmem>>, vector<1x16xf32>,
      %swap3A_771 = vector.shape_cast %swap3A_770 : vector<1x16xf32> to vector<16xf32>
      %swap3A_772 = vector.shape_cast %get3A_84 : vector<16xf32> to vector<1x16xf32>
      tpu.vector_store %arg6[%swap3A_768, %swap3A_769], %swap3A_772 {strides = array<i32>} : memref<64x512xf32, #tpu.memory_space<vmem>>, vector<1x16xf32>,
      %mul3A_773 = arith.constant 2 : i32
      %mul3A_774 = arith.muli %scan3A_359, %mul3A_773 : i32
      %add3A_775 = arith.constant 1 : i32
      %add3A_776 = arith.addi %mul3A_774, %add3A_775 : i32
      %swap3A_777 = arith.index_cast %add3A_776 : i32 to index
      %swap3A_778 = arith.constant 224 : index
      %swap3A_779 = tpu.vector_load %arg6[%swap3A_777, %swap3A_778] {strides = array<i32>} : memref<64x512xf32, #tpu.memory_space<vmem>>, vector<1x16xf32>,
      %swap3A_780 = vector.shape_cast %swap3A_779 : vector<1x16xf32> to vector<16xf32>
      %swap3A_781 = vector.shape_cast %get3A_89 : vector<16xf32> to vector<1x16xf32>
      tpu.vector_store %arg6[%swap3A_777, %swap3A_778], %swap3A_781 {strides = array<i32>} : memref<64x512xf32, #tpu.memory_space<vmem>>, vector<1x16xf32>,
      %mul3A_782 = arith.constant 2 : i32
      %mul3A_783 = arith.muli %scan3A_359, %mul3A_782 : i32
      %add3A_784 = arith.constant 1 : i32
      %add3A_785 = arith.addi %mul3A_783, %add3A_784 : i32
      %swap3A_786 = arith.index_cast %add3A_785 : i32 to index
      %swap3A_787 = arith.constant 240 : index
      %swap3A_788 = tpu.vector_load %arg6[%swap3A_786, %swap3A_787] {strides = array<i32>} : memref<64x512xf32, #tpu.memory_space<vmem>>, vector<1x16xf32>,
      %swap3A_789 = vector.shape_cast %swap3A_788 : vector<1x16xf32> to vector<16xf32>
      %swap3A_790 = vector.shape_cast %get3A_94 : vector<16xf32> to vector<1x16xf32>
      tpu.vector_store %arg6[%swap3A_786, %swap3A_787], %swap3A_790 {strides = array<i32>} : memref<64x512xf32, #tpu.memory_space<vmem>>, vector<1x16xf32>,
      %mul3A_791 = arith.constant 2 : i32
      %mul3A_792 = arith.muli %scan3A_359, %mul3A_791 : i32
      %add3A_793 = arith.constant 1 : i32
      %add3A_794 = arith.addi %mul3A_792, %add3A_793 : i32
      %swap3A_795 = arith.index_cast %add3A_794 : i32 to index
      %swap3A_796 = arith.constant 256 : index
      %swap3A_797 = tpu.vector_load %arg6[%swap3A_795, %swap3A_796] {strides = array<i32>} : memref<64x512xf32, #tpu.memory_space<vmem>>, vector<1x16xf32>,
      %swap3A_798 = vector.shape_cast %swap3A_797 : vector<1x16xf32> to vector<16xf32>
      %swap3A_799 = vector.shape_cast %get3A_99 : vector<16xf32> to vector<1x16xf32>
      tpu.vector_store %arg6[%swap3A_795, %swap3A_796], %swap3A_799 {strides = array<i32>} : memref<64x512xf32, #tpu.memory_space<vmem>>, vector<1x16xf32>,
      %mul3A_800 = arith.constant 2 : i32
      %mul3A_801 = arith.muli %scan3A_359, %mul3A_800 : i32
      %add3A_802 = arith.constant 1 : i32
      %add3A_803 = arith.addi %mul3A_801, %add3A_802 : i32
      %swap3A_804 = arith.index_cast %add3A_803 : i32 to index
      %swap3A_805 = arith.constant 272 : index
      %swap3A_806 = tpu.vector_load %arg6[%swap3A_804, %swap3A_805] {strides = array<i32>} : memref<64x512xf32, #tpu.memory_space<vmem>>, vector<1x16xf32>,
      %swap3A_807 = vector.shape_cast %swap3A_806 : vector<1x16xf32> to vector<16xf32>
      %swap3A_808 = vector.shape_cast %get3A_104 : vector<16xf32> to vector<1x16xf32>
      tpu.vector_store %arg6[%swap3A_804, %swap3A_805], %swap3A_808 {strides = array<i32>} : memref<64x512xf32, #tpu.memory_space<vmem>>, vector<1x16xf32>,
      %mul3A_809 = arith.constant 2 : i32
      %mul3A_810 = arith.muli %scan3A_359, %mul3A_809 : i32
      %add3A_811 = arith.constant 1 : i32
      %add3A_812 = arith.addi %mul3A_810, %add3A_811 : i32
      %swap3A_813 = arith.index_cast %add3A_812 : i32 to index
      %swap3A_814 = arith.constant 288 : index
      %swap3A_815 = tpu.vector_load %arg6[%swap3A_813, %swap3A_814] {strides = array<i32>} : memref<64x512xf32, #tpu.memory_space<vmem>>, vector<1x16xf32>,
      %swap3A_816 = vector.shape_cast %swap3A_815 : vector<1x16xf32> to vector<16xf32>
      %swap3A_817 = vector.shape_cast %get3A_109 : vector<16xf32> to vector<1x16xf32>
      tpu.vector_store %arg6[%swap3A_813, %swap3A_814], %swap3A_817 {strides = array<i32>} : memref<64x512xf32, #tpu.memory_space<vmem>>, vector<1x16xf32>,
      %mul3A_818 = arith.constant 2 : i32
      %mul3A_819 = arith.muli %scan3A_359, %mul3A_818 : i32
      %add3A_820 = arith.constant 1 : i32
      %add3A_821 = arith.addi %mul3A_819, %add3A_820 : i32
      %swap3A_822 = arith.index_cast %add3A_821 : i32 to index
      %swap3A_823 = arith.constant 304 : index
      %swap3A_824 = tpu.vector_load %arg6[%swap3A_822, %swap3A_823] {strides = array<i32>} : memref<64x512xf32, #tpu.memory_space<vmem>>, vector<1x16xf32>,
      %swap3A_825 = vector.shape_cast %swap3A_824 : vector<1x16xf32> to vector<16xf32>
      %swap3A_826 = vector.shape_cast %get3A_114 : vector<16xf32> to vector<1x16xf32>
      tpu.vector_store %arg6[%swap3A_822, %swap3A_823], %swap3A_826 {strides = array<i32>} : memref<64x512xf32, #tpu.memory_space<vmem>>, vector<1x16xf32>,
      %mul3A_827 = arith.constant 2 : i32
      %mul3A_828 = arith.muli %scan3A_359, %mul3A_827 : i32
      %add3A_829 = arith.constant 1 : i32
      %add3A_830 = arith.addi %mul3A_828, %add3A_829 : i32
      %swap3A_831 = arith.index_cast %add3A_830 : i32 to index
      %swap3A_832 = arith.constant 320 : index
      %swap3A_833 = tpu.vector_load %arg6[%swap3A_831, %swap3A_832] {strides = array<i32>} : memref<64x512xf32, #tpu.memory_space<vmem>>, vector<1x16xf32>,
      %swap3A_834 = vector.shape_cast %swap3A_833 : vector<1x16xf32> to vector<16xf32>
      %swap3A_835 = vector.shape_cast %get3A_119 : vector<16xf32> to vector<1x16xf32>
      tpu.vector_store %arg6[%swap3A_831, %swap3A_832], %swap3A_835 {strides = array<i32>} : memref<64x512xf32, #tpu.memory_space<vmem>>, vector<1x16xf32>,
      %mul3A_836 = arith.constant 2 : i32
      %mul3A_837 = arith.muli %scan3A_359, %mul3A_836 : i32
      %add3A_838 = arith.constant 1 : i32
      %add3A_839 = arith.addi %mul3A_837, %add3A_838 : i32
      %swap3A_840 = arith.index_cast %add3A_839 : i32 to index
      %swap3A_841 = arith.constant 336 : index
      %swap3A_842 = tpu.vector_load %arg6[%swap3A_840, %swap3A_841] {strides = array<i32>} : memref<64x512xf32, #tpu.memory_space<vmem>>, vector<1x16xf32>,
      %swap3A_843 = vector.shape_cast %swap3A_842 : vector<1x16xf32> to vector<16xf32>
      %swap3A_844 = vector.shape_cast %get3A_124 : vector<16xf32> to vector<1x16xf32>
      tpu.vector_store %arg6[%swap3A_840, %swap3A_841], %swap3A_844 {strides = array<i32>} : memref<64x512xf32, #tpu.memory_space<vmem>>, vector<1x16xf32>,
      %mul3A_845 = arith.constant 2 : i32
      %mul3A_846 = arith.muli %scan3A_359, %mul3A_845 : i32
      %add3A_847 = arith.constant 1 : i32
      %add3A_848 = arith.addi %mul3A_846, %add3A_847 : i32
      %swap3A_849 = arith.index_cast %add3A_848 : i32 to index
      %swap3A_850 = arith.constant 352 : index
      %swap3A_851 = tpu.vector_load %arg6[%swap3A_849, %swap3A_850] {strides = array<i32>} : memref<64x512xf32, #tpu.memory_space<vmem>>, vector<1x16xf32>,
      %swap3A_852 = vector.shape_cast %swap3A_851 : vector<1x16xf32> to vector<16xf32>
      %swap3A_853 = vector.shape_cast %get3A_129 : vector<16xf32> to vector<1x16xf32>
      tpu.vector_store %arg6[%swap3A_849, %swap3A_850], %swap3A_853 {strides = array<i32>} : memref<64x512xf32, #tpu.memory_space<vmem>>, vector<1x16xf32>,
      %mul3A_854 = arith.constant 2 : i32
      %mul3A_855 = arith.muli %scan3A_359, %mul3A_854 : i32
      %add3A_856 = arith.constant 1 : i32
      %add3A_857 = arith.addi %mul3A_855, %add3A_856 : i32
      %swap3A_858 = arith.index_cast %add3A_857 : i32 to index
      %swap3A_859 = arith.constant 368 : index
      %swap3A_860 = tpu.vector_load %arg6[%swap3A_858, %swap3A_859] {strides = array<i32>} : memref<64x512xf32, #tpu.memory_space<vmem>>, vector<1x16xf32>,
      %swap3A_861 = vector.shape_cast %swap3A_860 : vector<1x16xf32> to vector<16xf32>
      %swap3A_862 = vector.shape_cast %get3A_134 : vector<16xf32> to vector<1x16xf32>
      tpu.vector_store %arg6[%swap3A_858, %swap3A_859], %swap3A_862 {strides = array<i32>} : memref<64x512xf32, #tpu.memory_space<vmem>>, vector<1x16xf32>,
      %mul3A_863 = arith.constant 2 : i32
      %mul3A_864 = arith.muli %scan3A_359, %mul3A_863 : i32
      %add3A_865 = arith.constant 1 : i32
      %add3A_866 = arith.addi %mul3A_864, %add3A_865 : i32
      %swap3A_867 = arith.index_cast %add3A_866 : i32 to index
      %swap3A_868 = arith.constant 384 : index
      %swap3A_869 = tpu.vector_load %arg6[%swap3A_867, %swap3A_868] {strides = array<i32>} : memref<64x512xf32, #tpu.memory_space<vmem>>, vector<1x16xf32>,
      %swap3A_870 = vector.shape_cast %swap3A_869 : vector<1x16xf32> to vector<16xf32>
      %swap3A_871 = vector.shape_cast %get3A_139 : vector<16xf32> to vector<1x16xf32>
      tpu.vector_store %arg6[%swap3A_867, %swap3A_868], %swap3A_871 {strides = array<i32>} : memref<64x512xf32, #tpu.memory_space<vmem>>, vector<1x16xf32>,
      %mul3A_872 = arith.constant 2 : i32
      %mul3A_873 = arith.muli %scan3A_359, %mul3A_872 : i32
      %add3A_874 = arith.constant 1 : i32
      %add3A_875 = arith.addi %mul3A_873, %add3A_874 : i32
      %swap3A_876 = arith.index_cast %add3A_875 : i32 to index
      %swap3A_877 = arith.constant 400 : index
      %swap3A_878 = tpu.vector_load %arg6[%swap3A_876, %swap3A_877] {strides = array<i32>} : memref<64x512xf32, #tpu.memory_space<vmem>>, vector<1x16xf32>,
      %swap3A_879 = vector.shape_cast %swap3A_878 : vector<1x16xf32> to vector<16xf32>
      %swap3A_880 = vector.shape_cast %get3A_144 : vector<16xf32> to vector<1x16xf32>
      tpu.vector_store %arg6[%swap3A_876, %swap3A_877], %swap3A_880 {strides = array<i32>} : memref<64x512xf32, #tpu.memory_space<vmem>>, vector<1x16xf32>,
      %mul3A_881 = arith.constant 2 : i32
      %mul3A_882 = arith.muli %scan3A_359, %mul3A_881 : i32
      %add3A_883 = arith.constant 1 : i32
      %add3A_884 = arith.addi %mul3A_882, %add3A_883 : i32
      %swap3A_885 = arith.index_cast %add3A_884 : i32 to index
      %swap3A_886 = arith.constant 416 : index
      %swap3A_887 = tpu.vector_load %arg6[%swap3A_885, %swap3A_886] {strides = array<i32>} : memref<64x512xf32, #tpu.memory_space<vmem>>, vector<1x16xf32>,
      %swap3A_888 = vector.shape_cast %swap3A_887 : vector<1x16xf32> to vector<16xf32>
      %swap3A_889 = vector.shape_cast %get3A_149 : vector<16xf32> to vector<1x16xf32>
      tpu.vector_store %arg6[%swap3A_885, %swap3A_886], %swap3A_889 {strides = array<i32>} : memref<64x512xf32, #tpu.memory_space<vmem>>, vector<1x16xf32>,
      %mul3A_890 = arith.constant 2 : i32
      %mul3A_891 = arith.muli %scan3A_359, %mul3A_890 : i32
      %add3A_892 = arith.constant 1 : i32
      %add3A_893 = arith.addi %mul3A_891, %add3A_892 : i32
      %swap3A_894 = arith.index_cast %add3A_893 : i32 to index
      %swap3A_895 = arith.constant 432 : index
      %swap3A_896 = tpu.vector_load %arg6[%swap3A_894, %swap3A_895] {strides = array<i32>} : memref<64x512xf32, #tpu.memory_space<vmem>>, vector<1x16xf32>,
      %swap3A_897 = vector.shape_cast %swap3A_896 : vector<1x16xf32> to vector<16xf32>
      %swap3A_898 = vector.shape_cast %get3A_154 : vector<16xf32> to vector<1x16xf32>
      tpu.vector_store %arg6[%swap3A_894, %swap3A_895], %swap3A_898 {strides = array<i32>} : memref<64x512xf32, #tpu.memory_space<vmem>>, vector<1x16xf32>,
      %mul3A_899 = arith.constant 2 : i32
      %mul3A_900 = arith.muli %scan3A_359, %mul3A_899 : i32
      %add3A_901 = arith.constant 1 : i32
      %add3A_902 = arith.addi %mul3A_900, %add3A_901 : i32
      %swap3A_903 = arith.index_cast %add3A_902 : i32 to index
      %swap3A_904 = arith.constant 448 : index
      %swap3A_905 = tpu.vector_load %arg6[%swap3A_903, %swap3A_904] {strides = array<i32>} : memref<64x512xf32, #tpu.memory_space<vmem>>, vector<1x16xf32>,
      %swap3A_906 = vector.shape_cast %swap3A_905 : vector<1x16xf32> to vector<16xf32>
      %swap3A_907 = vector.shape_cast %get3A_159 : vector<16xf32> to vector<1x16xf32>
      tpu.vector_store %arg6[%swap3A_903, %swap3A_904], %swap3A_907 {strides = array<i32>} : memref<64x512xf32, #tpu.memory_space<vmem>>, vector<1x16xf32>,
      %mul3A_908 = arith.constant 2 : i32
      %mul3A_909 = arith.muli %scan3A_359, %mul3A_908 : i32
      %add3A_910 = arith.constant 1 : i32
      %add3A_911 = arith.addi %mul3A_909, %add3A_910 : i32
      %swap3A_912 = arith.index_cast %add3A_911 : i32 to index
      %swap3A_913 = arith.constant 464 : index
      %swap3A_914 = tpu.vector_load %arg6[%swap3A_912, %swap3A_913] {strides = array<i32>} : memref<64x512xf32, #tpu.memory_space<vmem>>, vector<1x16xf32>,
      %swap3A_915 = vector.shape_cast %swap3A_914 : vector<1x16xf32> to vector<16xf32>
      %swap3A_916 = vector.shape_cast %get3A_164 : vector<16xf32> to vector<1x16xf32>
      tpu.vector_store %arg6[%swap3A_912, %swap3A_913], %swap3A_916 {strides = array<i32>} : memref<64x512xf32, #tpu.memory_space<vmem>>, vector<1x16xf32>,
      %mul3A_917 = arith.constant 2 : i32
      %mul3A_918 = arith.muli %scan3A_359, %mul3A_917 : i32
      %add3A_919 = arith.constant 1 : i32
      %add3A_920 = arith.addi %mul3A_918, %add3A_919 : i32
      %swap3A_921 = arith.index_cast %add3A_920 : i32 to index
      %swap3A_922 = arith.constant 480 : index
      %swap3A_923 = tpu.vector_load %arg6[%swap3A_921, %swap3A_922] {strides = array<i32>} : memref<64x512xf32, #tpu.memory_space<vmem>>, vector<1x16xf32>,
      %swap3A_924 = vector.shape_cast %swap3A_923 : vector<1x16xf32> to vector<16xf32>
      %swap3A_925 = vector.shape_cast %get3A_169 : vector<16xf32> to vector<1x16xf32>
      tpu.vector_store %arg6[%swap3A_921, %swap3A_922], %swap3A_925 {strides = array<i32>} : memref<64x512xf32, #tpu.memory_space<vmem>>, vector<1x16xf32>,
      %mul3A_926 = arith.constant 2 : i32
      %mul3A_927 = arith.muli %scan3A_359, %mul3A_926 : i32
      %add3A_928 = arith.constant 1 : i32
      %add3A_929 = arith.addi %mul3A_927, %add3A_928 : i32
      %swap3A_930 = arith.index_cast %add3A_929 : i32 to index
      %swap3A_931 = arith.constant 496 : index
      %swap3A_932 = tpu.vector_load %arg6[%swap3A_930, %swap3A_931] {strides = array<i32>} : memref<64x512xf32, #tpu.memory_space<vmem>>, vector<1x16xf32>,
      %swap3A_933 = vector.shape_cast %swap3A_932 : vector<1x16xf32> to vector<16xf32>
      %swap3A_934 = vector.shape_cast %get3A_174 : vector<16xf32> to vector<1x16xf32>
      tpu.vector_store %arg6[%swap3A_930, %swap3A_931], %swap3A_934 {strides = array<i32>} : memref<64x512xf32, #tpu.memory_space<vmem>>, vector<1x16xf32>,
    }
    %scan3A_179 = arith.constant 32 : i32
    %dma_start3A_180 = arith.constant 0 : i32
    %dma_start3A_181 = tpu.memref_slice %arg4[%add3A_15, %dma_start3A_180] : memref<4096x1024xf32, #tpu.memory_space<hbm>> -> memref<64x512xf32, #tpu.memory_space<hbm>>
    %dma_start3A_182 = arith.constant 0 : i32
    %dma_start3A_183 = tpu.memref_slice %arg4[%add3A_15, %dma_start3A_182] : memref<4096x1024xf32, #tpu.memory_space<hbm>> -> memref<64x512xf32, #tpu.memory_space<hbm>>
    tpu.enqueue_dma source(%arg6 : memref<64x512xf32, #tpu.memory_space<vmem>>) target(%dma_start3A_183 : memref<64x512xf32, #tpu.memory_space<hbm>>) target_semaphore(%arg9 : memref<!tpu.dma_semaphore, #tpu.memory_space<semaphore_mem>>)
    %add3A_184 = arith.constant 64 : i32
    %add3A_185 = arith.addi %mul3A_6, %add3A_184 : i32
    %get3A_186 = arith.constant 1 : i32
    %get3A_187 = arith.index_cast %get3A_186 : i32 to index
    %get3A_188 = arith.constant 0 : index
    %get3A_189 = tpu.vector_load %arg5[%get3A_187, %get3A_188] {strides = array<i32>} : memref<2x512xf32, #tpu.memory_space<vmem>>, vector<1x16xf32>,
    %get3A_190 = vector.shape_cast %get3A_189 : vector<1x16xf32> to vector<16xf32>
    %get3A_191 = arith.constant 1 : i32
    %get3A_192 = arith.index_cast %get3A_191 : i32 to index
    %get3A_193 = arith.constant 16 : index
    %get3A_194 = tpu.vector_load %arg5[%get3A_192, %get3A_193] {strides = array<i32>} : memref<2x512xf32, #tpu.memory_space<vmem>>, vector<1x16xf32>,
    %get3A_195 = vector.shape_cast %get3A_194 : vector<1x16xf32> to vector<16xf32>
    %get3A_196 = arith.constant 1 : i32
    %get3A_197 = arith.index_cast %get3A_196 : i32 to index
    %get3A_198 = arith.constant 32 : index
    %get3A_199 = tpu.vector_load %arg5[%get3A_197, %get3A_198] {strides = array<i32>} : memref<2x512xf32, #tpu.memory_space<vmem>>, vector<1x16xf32>,
    %get3A_200 = vector.shape_cast %get3A_199 : vector<1x16xf32> to vector<16xf32>
    %get3A_201 = arith.constant 1 : i32
    %get3A_202 = arith.index_cast %get3A_201 : i32 to index
    %get3A_203 = arith.constant 48 : index
    %get3A_204 = tpu.vector_load %arg5[%get3A_202, %get3A_203] {strides = array<i32>} : memref<2x512xf32, #tpu.memory_space<vmem>>, vector<1x16xf32>,
    %get3A_205 = vector.shape_cast %get3A_204 : vector<1x16xf32> to vector<16xf32>
    %get3A_206 = arith.constant 1 : i32
    %get3A_207 = arith.index_cast %get3A_206 : i32 to index
    %get3A_208 = arith.constant 64 : index
    %get3A_209 = tpu.vector_load %arg5[%get3A_207, %get3A_208] {strides = array<i32>} : memref<2x512xf32, #tpu.memory_space<vmem>>, vector<1x16xf32>,
    %get3A_210 = vector.shape_cast %get3A_209 : vector<1x16xf32> to vector<16xf32>
    %get3A_211 = arith.constant 1 : i32
    %get3A_212 = arith.index_cast %get3A_211 : i32 to index
    %get3A_213 = arith.constant 80 : index
    %get3A_214 = tpu.vector_load %arg5[%get3A_212, %get3A_213] {strides = array<i32>} : memref<2x512xf32, #tpu.memory_space<vmem>>, vector<1x16xf32>,
    %get3A_215 = vector.shape_cast %get3A_214 : vector<1x16xf32> to vector<16xf32>
    %get3A_216 = arith.constant 1 : i32
    %get3A_217 = arith.index_cast %get3A_216 : i32 to index
    %get3A_218 = arith.constant 96 : index
    %get3A_219 = tpu.vector_load %arg5[%get3A_217, %get3A_218] {strides = array<i32>} : memref<2x512xf32, #tpu.memory_space<vmem>>, vector<1x16xf32>,
    %get3A_220 = vector.shape_cast %get3A_219 : vector<1x16xf32> to vector<16xf32>
    %get3A_221 = arith.constant 1 : i32
    %get3A_222 = arith.index_cast %get3A_221 : i32 to index
    %get3A_223 = arith.constant 112 : index
    %get3A_224 = tpu.vector_load %arg5[%get3A_222, %get3A_223] {strides = array<i32>} : memref<2x512xf32, #tpu.memory_space<vmem>>, vector<1x16xf32>,
    %get3A_225 = vector.shape_cast %get3A_224 : vector<1x16xf32> to vector<16xf32>
    %get3A_226 = arith.constant 1 : i32
    %get3A_227 = arith.index_cast %get3A_226 : i32 to index
    %get3A_228 = arith.constant 128 : index
    %get3A_229 = tpu.vector_load %arg5[%get3A_227, %get3A_228] {strides = array<i32>} : memref<2x512xf32, #tpu.memory_space<vmem>>, vector<1x16xf32>,
    %get3A_230 = vector.shape_cast %get3A_229 : vector<1x16xf32> to vector<16xf32>
    %get3A_231 = arith.constant 1 : i32
    %get3A_232 = arith.index_cast %get3A_231 : i32 to index
    %get3A_233 = arith.constant 144 : index
    %get3A_234 = tpu.vector_load %arg5[%get3A_232, %get3A_233] {strides = array<i32>} : memref<2x512xf32, #tpu.memory_space<vmem>>, vector<1x16xf32>,
    %get3A_235 = vector.shape_cast %get3A_234 : vector<1x16xf32> to vector<16xf32>
    %get3A_236 = arith.constant 1 : i32
    %get3A_237 = arith.index_cast %get3A_236 : i32 to index
    %get3A_238 = arith.constant 160 : index
    %get3A_239 = tpu.vector_load %arg5[%get3A_237, %get3A_238] {strides = array<i32>} : memref<2x512xf32, #tpu.memory_space<vmem>>, vector<1x16xf32>,
    %get3A_240 = vector.shape_cast %get3A_239 : vector<1x16xf32> to vector<16xf32>
    %get3A_241 = arith.constant 1 : i32
    %get3A_242 = arith.index_cast %get3A_241 : i32 to index
    %get3A_243 = arith.constant 176 : index
    %get3A_244 = tpu.vector_load %arg5[%get3A_242, %get3A_243] {strides = array<i32>} : memref<2x512xf32, #tpu.memory_space<vmem>>, vector<1x16xf32>,
    %get3A_245 = vector.shape_cast %get3A_244 : vector<1x16xf32> to vector<16xf32>
    %get3A_246 = arith.constant 1 : i32
    %get3A_247 = arith.index_cast %get3A_246 : i32 to index
    %get3A_248 = arith.constant 192 : index
    %get3A_249 = tpu.vector_load %arg5[%get3A_247, %get3A_248] {strides = array<i32>} : memref<2x512xf32, #tpu.memory_space<vmem>>, vector<1x16xf32>,
    %get3A_250 = vector.shape_cast %get3A_249 : vector<1x16xf32> to vector<16xf32>
    %get3A_251 = arith.constant 1 : i32
    %get3A_252 = arith.index_cast %get3A_251 : i32 to index
    %get3A_253 = arith.constant 208 : index
    %get3A_254 = tpu.vector_load %arg5[%get3A_252, %get3A_253] {strides = array<i32>} : memref<2x512xf32, #tpu.memory_space<vmem>>, vector<1x16xf32>,
    %get3A_255 = vector.shape_cast %get3A_254 : vector<1x16xf32> to vector<16xf32>
    %get3A_256 = arith.constant 1 : i32
    %get3A_257 = arith.index_cast %get3A_256 : i32 to index
    %get3A_258 = arith.constant 224 : index
    %get3A_259 = tpu.vector_load %arg5[%get3A_257, %get3A_258] {strides = array<i32>} : memref<2x512xf32, #tpu.memory_space<vmem>>, vector<1x16xf32>,
    %get3A_260 = vector.shape_cast %get3A_259 : vector<1x16xf32> to vector<16xf32>
    %get3A_261 = arith.constant 1 : i32
    %get3A_262 = arith.index_cast %get3A_261 : i32 to index
    %get3A_263 = arith.constant 240 : index
    %get3A_264 = tpu.vector_load %arg5[%get3A_262, %get3A_263] {strides = array<i32>} : memref<2x512xf32, #tpu.memory_space<vmem>>, vector<1x16xf32>,
    %get3A_265 = vector.shape_cast %get3A_264 : vector<1x16xf32> to vector<16xf32>
    %get3A_266 = arith.constant 1 : i32
    %get3A_267 = arith.index_cast %get3A_266 : i32 to index
    %get3A_268 = arith.constant 256 : index
    %get3A_269 = tpu.vector_load %arg5[%get3A_267, %get3A_268] {strides = array<i32>} : memref<2x512xf32, #tpu.memory_space<vmem>>, vector<1x16xf32>,
    %get3A_270 = vector.shape_cast %get3A_269 : vector<1x16xf32> to vector<16xf32>
    %get3A_271 = arith.constant 1 : i32
    %get3A_272 = arith.index_cast %get3A_271 : i32 to index
    %get3A_273 = arith.constant 272 : index
    %get3A_274 = tpu.vector_load %arg5[%get3A_272, %get3A_273] {strides = array<i32>} : memref<2x512xf32, #tpu.memory_space<vmem>>, vector<1x16xf32>,
    %get3A_275 = vector.shape_cast %get3A_274 : vector<1x16xf32> to vector<16xf32>
    %get3A_276 = arith.constant 1 : i32
    %get3A_277 = arith.index_cast %get3A_276 : i32 to index
    %get3A_278 = arith.constant 288 : index
    %get3A_279 = tpu.vector_load %arg5[%get3A_277, %get3A_278] {strides = array<i32>} : memref<2x512xf32, #tpu.memory_space<vmem>>, vector<1x16xf32>,
    %get3A_280 = vector.shape_cast %get3A_279 : vector<1x16xf32> to vector<16xf32>
    %get3A_281 = arith.constant 1 : i32
    %get3A_282 = arith.index_cast %get3A_281 : i32 to index
    %get3A_283 = arith.constant 304 : index
    %get3A_284 = tpu.vector_load %arg5[%get3A_282, %get3A_283] {strides = array<i32>} : memref<2x512xf32, #tpu.memory_space<vmem>>, vector<1x16xf32>,
    %get3A_285 = vector.shape_cast %get3A_284 : vector<1x16xf32> to vector<16xf32>
    %get3A_286 = arith.constant 1 : i32
    %get3A_287 = arith.index_cast %get3A_286 : i32 to index
    %get3A_288 = arith.constant 320 : index
    %get3A_289 = tpu.vector_load %arg5[%get3A_287, %get3A_288] {strides = array<i32>} : memref<2x512xf32, #tpu.memory_space<vmem>>, vector<1x16xf32>,
    %get3A_290 = vector.shape_cast %get3A_289 : vector<1x16xf32> to vector<16xf32>
    %get3A_291 = arith.constant 1 : i32
    %get3A_292 = arith.index_cast %get3A_291 : i32 to index
    %get3A_293 = arith.constant 336 : index
    %get3A_294 = tpu.vector_load %arg5[%get3A_292, %get3A_293] {strides = array<i32>} : memref<2x512xf32, #tpu.memory_space<vmem>>, vector<1x16xf32>,
    %get3A_295 = vector.shape_cast %get3A_294 : vector<1x16xf32> to vector<16xf32>
    %get3A_296 = arith.constant 1 : i32
    %get3A_297 = arith.index_cast %get3A_296 : i32 to index
    %get3A_298 = arith.constant 352 : index
    %get3A_299 = tpu.vector_load %arg5[%get3A_297, %get3A_298] {strides = array<i32>} : memref<2x512xf32, #tpu.memory_space<vmem>>, vector<1x16xf32>,
    %get3A_300 = vector.shape_cast %get3A_299 : vector<1x16xf32> to vector<16xf32>
    %get3A_301 = arith.constant 1 : i32
    %get3A_302 = arith.index_cast %get3A_301 : i32 to index
    %get3A_303 = arith.constant 368 : index
    %get3A_304 = tpu.vector_load %arg5[%get3A_302, %get3A_303] {strides = array<i32>} : memref<2x512xf32, #tpu.memory_space<vmem>>, vector<1x16xf32>,
    %get3A_305 = vector.shape_cast %get3A_304 : vector<1x16xf32> to vector<16xf32>
    %get3A_306 = arith.constant 1 : i32
    %get3A_307 = arith.index_cast %get3A_306 : i32 to index
    %get3A_308 = arith.constant 384 : index
    %get3A_309 = tpu.vector_load %arg5[%get3A_307, %get3A_308] {strides = array<i32>} : memref<2x512xf32, #tpu.memory_space<vmem>>, vector<1x16xf32>,
    %get3A_310 = vector.shape_cast %get3A_309 : vector<1x16xf32> to vector<16xf32>
    %get3A_311 = arith.constant 1 : i32
    %get3A_312 = arith.index_cast %get3A_311 : i32 to index
    %get3A_313 = arith.constant 400 : index
    %get3A_314 = tpu.vector_load %arg5[%get3A_312, %get3A_313] {strides = array<i32>} : memref<2x512xf32, #tpu.memory_space<vmem>>, vector<1x16xf32>,
    %get3A_315 = vector.shape_cast %get3A_314 : vector<1x16xf32> to vector<16xf32>
    %get3A_316 = arith.constant 1 : i32
    %get3A_317 = arith.index_cast %get3A_316 : i32 to index
    %get3A_318 = arith.constant 416 : index
    %get3A_319 = tpu.vector_load %arg5[%get3A_317, %get3A_318] {strides = array<i32>} : memref<2x512xf32, #tpu.memory_space<vmem>>, vector<1x16xf32>,
    %get3A_320 = vector.shape_cast %get3A_319 : vector<1x16xf32> to vector<16xf32>
    %get3A_321 = arith.constant 1 : i32
    %get3A_322 = arith.index_cast %get3A_321 : i32 to index
    %get3A_323 = arith.constant 432 : index
    %get3A_324 = tpu.vector_load %arg5[%get3A_322, %get3A_323] {strides = array<i32>} : memref<2x512xf32, #tpu.memory_space<vmem>>, vector<1x16xf32>,
    %get3A_325 = vector.shape_cast %get3A_324 : vector<1x16xf32> to vector<16xf32>
    %get3A_326 = arith.constant 1 : i32
    %get3A_327 = arith.index_cast %get3A_326 : i32 to index
    %get3A_328 = arith.constant 448 : index
    %get3A_329 = tpu.vector_load %arg5[%get3A_327, %get3A_328] {strides = array<i32>} : memref<2x512xf32, #tpu.memory_space<vmem>>, vector<1x16xf32>,
    %get3A_330 = vector.shape_cast %get3A_329 : vector<1x16xf32> to vector<16xf32>
    %get3A_331 = arith.constant 1 : i32
    %get3A_332 = arith.index_cast %get3A_331 : i32 to index
    %get3A_333 = arith.constant 464 : index
    %get3A_334 = tpu.vector_load %arg5[%get3A_332, %get3A_333] {strides = array<i32>} : memref<2x512xf32, #tpu.memory_space<vmem>>, vector<1x16xf32>,
    %get3A_335 = vector.shape_cast %get3A_334 : vector<1x16xf32> to vector<16xf32>
    %get3A_336 = arith.constant 1 : i32
    %get3A_337 = arith.index_cast %get3A_336 : i32 to index
    %get3A_338 = arith.constant 480 : index
    %get3A_339 = tpu.vector_load %arg5[%get3A_337, %get3A_338] {strides = array<i32>} : memref<2x512xf32, #tpu.memory_space<vmem>>, vector<1x16xf32>,
    %get3A_340 = vector.shape_cast %get3A_339 : vector<1x16xf32> to vector<16xf32>
    %get3A_341 = arith.constant 1 : i32
    %get3A_342 = arith.index_cast %get3A_341 : i32 to index
    %get3A_343 = arith.constant 496 : index
    %get3A_344 = tpu.vector_load %arg5[%get3A_342, %get3A_343] {strides = array<i32>} : memref<2x512xf32, #tpu.memory_space<vmem>>, vector<1x16xf32>,
    %get3A_345 = vector.shape_cast %get3A_344 : vector<1x16xf32> to vector<16xf32>
    %scan3A_346 = arith.constant 0 : i32
    %scan3A_347 = arith.constant 0 : i32
    %scan3A_348 = arith.constant 32 : i32
    %scan3A_349 = arith.addi %scan3A_347, %scan3A_348 : i32
    %scan3A_350 = arith.constant 1 : i32
    scf.for %scan3A_359 = %scan3A_347 to %scan3A_349 step %scan3A_350  : i32 {
      %mul3A_360 = arith.constant 2 : i32
      %mul3A_361 = arith.muli %scan3A_359, %mul3A_360 : i32
      %add3A_362 = arith.constant 0 : i32
      %add3A_363 = arith.addi %mul3A_361, %add3A_362 : i32
      %swap3A = arith.index_cast %add3A_363 : i32 to index
      %swap3A_364 = arith.constant 0 : index
      %swap3A_365 = tpu.vector_load %arg7[%swap3A, %swap3A_364] {strides = array<i32>} : memref<64x512xf32, #tpu.memory_space<vmem>>, vector<1x16xf32>,
      %swap3A_366 = vector.shape_cast %swap3A_365 : vector<1x16xf32> to vector<16xf32>
      %swap3A_367 = vector.shape_cast %get3A_190 : vector<16xf32> to vector<1x16xf32>
      tpu.vector_store %arg7[%swap3A, %swap3A_364], %swap3A_367 {strides = array<i32>} : memref<64x512xf32, #tpu.memory_space<vmem>>, vector<1x16xf32>,
      %mul3A_368 = arith.constant 2 : i32
      %mul3A_369 = arith.muli %scan3A_359, %mul3A_368 : i32
      %add3A_370 = arith.constant 0 : i32
      %add3A_371 = arith.addi %mul3A_369, %add3A_370 : i32
      %swap3A_372 = arith.index_cast %add3A_371 : i32 to index
      %swap3A_373 = arith.constant 16 : index
      %swap3A_374 = tpu.vector_load %arg7[%swap3A_372, %swap3A_373] {strides = array<i32>} : memref<64x512xf32, #tpu.memory_space<vmem>>, vector<1x16xf32>,
      %swap3A_375 = vector.shape_cast %swap3A_374 : vector<1x16xf32> to vector<16xf32>
      %swap3A_376 = vector.shape_cast %get3A_195 : vector<16xf32> to vector<1x16xf32>
      tpu.vector_store %arg7[%swap3A_372, %swap3A_373], %swap3A_376 {strides = array<i32>} : memref<64x512xf32, #tpu.memory_space<vmem>>, vector<1x16xf32>,
      %mul3A_377 = arith.constant 2 : i32
      %mul3A_378 = arith.muli %scan3A_359, %mul3A_377 : i32
      %add3A_379 = arith.constant 0 : i32
      %add3A_380 = arith.addi %mul3A_378, %add3A_379 : i32
      %swap3A_381 = arith.index_cast %add3A_380 : i32 to index
      %swap3A_382 = arith.constant 32 : index
      %swap3A_383 = tpu.vector_load %arg7[%swap3A_381, %swap3A_382] {strides = array<i32>} : memref<64x512xf32, #tpu.memory_space<vmem>>, vector<1x16xf32>,
      %swap3A_384 = vector.shape_cast %swap3A_383 : vector<1x16xf32> to vector<16xf32>
      %swap3A_385 = vector.shape_cast %get3A_200 : vector<16xf32> to vector<1x16xf32>
      tpu.vector_store %arg7[%swap3A_381, %swap3A_382], %swap3A_385 {strides = array<i32>} : memref<64x512xf32, #tpu.memory_space<vmem>>, vector<1x16xf32>,
      %mul3A_386 = arith.constant 2 : i32
      %mul3A_387 = arith.muli %scan3A_359, %mul3A_386 : i32
      %add3A_388 = arith.constant 0 : i32
      %add3A_389 = arith.addi %mul3A_387, %add3A_388 : i32
      %swap3A_390 = arith.index_cast %add3A_389 : i32 to index
      %swap3A_391 = arith.constant 48 : index
      %swap3A_392 = tpu.vector_load %arg7[%swap3A_390, %swap3A_391] {strides = array<i32>} : memref<64x512xf32, #tpu.memory_space<vmem>>, vector<1x16xf32>,
      %swap3A_393 = vector.shape_cast %swap3A_392 : vector<1x16xf32> to vector<16xf32>
      %swap3A_394 = vector.shape_cast %get3A_205 : vector<16xf32> to vector<1x16xf32>
      tpu.vector_store %arg7[%swap3A_390, %swap3A_391], %swap3A_394 {strides = array<i32>} : memref<64x512xf32, #tpu.memory_space<vmem>>, vector<1x16xf32>,
      %mul3A_395 = arith.constant 2 : i32
      %mul3A_396 = arith.muli %scan3A_359, %mul3A_395 : i32
      %add3A_397 = arith.constant 0 : i32
      %add3A_398 = arith.addi %mul3A_396, %add3A_397 : i32
      %swap3A_399 = arith.index_cast %add3A_398 : i32 to index
      %swap3A_400 = arith.constant 64 : index
      %swap3A_401 = tpu.vector_load %arg7[%swap3A_399, %swap3A_400] {strides = array<i32>} : memref<64x512xf32, #tpu.memory_space<vmem>>, vector<1x16xf32>,
      %swap3A_402 = vector.shape_cast %swap3A_401 : vector<1x16xf32> to vector<16xf32>
      %swap3A_403 = vector.shape_cast %get3A_210 : vector<16xf32> to vector<1x16xf32>
      tpu.vector_store %arg7[%swap3A_399, %swap3A_400], %swap3A_403 {strides = array<i32>} : memref<64x512xf32, #tpu.memory_space<vmem>>, vector<1x16xf32>,
      %mul3A_404 = arith.constant 2 : i32
      %mul3A_405 = arith.muli %scan3A_359, %mul3A_404 : i32
      %add3A_406 = arith.constant 0 : i32
      %add3A_407 = arith.addi %mul3A_405, %add3A_406 : i32
      %swap3A_408 = arith.index_cast %add3A_407 : i32 to index
      %swap3A_409 = arith.constant 80 : index
      %swap3A_410 = tpu.vector_load %arg7[%swap3A_408, %swap3A_409] {strides = array<i32>} : memref<64x512xf32, #tpu.memory_space<vmem>>, vector<1x16xf32>,
      %swap3A_411 = vector.shape_cast %swap3A_410 : vector<1x16xf32> to vector<16xf32>
      %swap3A_412 = vector.shape_cast %get3A_215 : vector<16xf32> to vector<1x16xf32>
      tpu.vector_store %arg7[%swap3A_408, %swap3A_409], %swap3A_412 {strides = array<i32>} : memref<64x512xf32, #tpu.memory_space<vmem>>, vector<1x16xf32>,
      %mul3A_413 = arith.constant 2 : i32
      %mul3A_414 = arith.muli %scan3A_359, %mul3A_413 : i32
      %add3A_415 = arith.constant 0 : i32
      %add3A_416 = arith.addi %mul3A_414, %add3A_415 : i32
      %swap3A_417 = arith.index_cast %add3A_416 : i32 to index
      %swap3A_418 = arith.constant 96 : index
      %swap3A_419 = tpu.vector_load %arg7[%swap3A_417, %swap3A_418] {strides = array<i32>} : memref<64x512xf32, #tpu.memory_space<vmem>>, vector<1x16xf32>,
      %swap3A_420 = vector.shape_cast %swap3A_419 : vector<1x16xf32> to vector<16xf32>
      %swap3A_421 = vector.shape_cast %get3A_220 : vector<16xf32> to vector<1x16xf32>
      tpu.vector_store %arg7[%swap3A_417, %swap3A_418], %swap3A_421 {strides = array<i32>} : memref<64x512xf32, #tpu.memory_space<vmem>>, vector<1x16xf32>,
      %mul3A_422 = arith.constant 2 : i32
      %mul3A_423 = arith.muli %scan3A_359, %mul3A_422 : i32
      %add3A_424 = arith.constant 0 : i32
      %add3A_425 = arith.addi %mul3A_423, %add3A_424 : i32
      %swap3A_426 = arith.index_cast %add3A_425 : i32 to index
      %swap3A_427 = arith.constant 112 : index
      %swap3A_428 = tpu.vector_load %arg7[%swap3A_426, %swap3A_427] {strides = array<i32>} : memref<64x512xf32, #tpu.memory_space<vmem>>, vector<1x16xf32>,
      %swap3A_429 = vector.shape_cast %swap3A_428 : vector<1x16xf32> to vector<16xf32>
      %swap3A_430 = vector.shape_cast %get3A_225 : vector<16xf32> to vector<1x16xf32>
      tpu.vector_store %arg7[%swap3A_426, %swap3A_427], %swap3A_430 {strides = array<i32>} : memref<64x512xf32, #tpu.memory_space<vmem>>, vector<1x16xf32>,
      %mul3A_431 = arith.constant 2 : i32
      %mul3A_432 = arith.muli %scan3A_359, %mul3A_431 : i32
      %add3A_433 = arith.constant 0 : i32
      %add3A_434 = arith.addi %mul3A_432, %add3A_433 : i32
      %swap3A_435 = arith.index_cast %add3A_434 : i32 to index
      %swap3A_436 = arith.constant 128 : index
      %swap3A_437 = tpu.vector_load %arg7[%swap3A_435, %swap3A_436] {strides = array<i32>} : memref<64x512xf32, #tpu.memory_space<vmem>>, vector<1x16xf32>,
      %swap3A_438 = vector.shape_cast %swap3A_437 : vector<1x16xf32> to vector<16xf32>
      %swap3A_439 = vector.shape_cast %get3A_230 : vector<16xf32> to vector<1x16xf32>
      tpu.vector_store %arg7[%swap3A_435, %swap3A_436], %swap3A_439 {strides = array<i32>} : memref<64x512xf32, #tpu.memory_space<vmem>>, vector<1x16xf32>,
      %mul3A_440 = arith.constant 2 : i32
      %mul3A_441 = arith.muli %scan3A_359, %mul3A_440 : i32
      %add3A_442 = arith.constant 0 : i32
      %add3A_443 = arith.addi %mul3A_441, %add3A_442 : i32
      %swap3A_444 = arith.index_cast %add3A_443 : i32 to index
      %swap3A_445 = arith.constant 144 : index
      %swap3A_446 = tpu.vector_load %arg7[%swap3A_444, %swap3A_445] {strides = array<i32>} : memref<64x512xf32, #tpu.memory_space<vmem>>, vector<1x16xf32>,
      %swap3A_447 = vector.shape_cast %swap3A_446 : vector<1x16xf32> to vector<16xf32>
      %swap3A_448 = vector.shape_cast %get3A_235 : vector<16xf32> to vector<1x16xf32>
      tpu.vector_store %arg7[%swap3A_444, %swap3A_445], %swap3A_448 {strides = array<i32>} : memref<64x512xf32, #tpu.memory_space<vmem>>, vector<1x16xf32>,
      %mul3A_449 = arith.constant 2 : i32
      %mul3A_450 = arith.muli %scan3A_359, %mul3A_449 : i32
      %add3A_451 = arith.constant 0 : i32
      %add3A_452 = arith.addi %mul3A_450, %add3A_451 : i32
      %swap3A_453 = arith.index_cast %add3A_452 : i32 to index
      %swap3A_454 = arith.constant 160 : index
      %swap3A_455 = tpu.vector_load %arg7[%swap3A_453, %swap3A_454] {strides = array<i32>} : memref<64x512xf32, #tpu.memory_space<vmem>>, vector<1x16xf32>,
      %swap3A_456 = vector.shape_cast %swap3A_455 : vector<1x16xf32> to vector<16xf32>
      %swap3A_457 = vector.shape_cast %get3A_240 : vector<16xf32> to vector<1x16xf32>
      tpu.vector_store %arg7[%swap3A_453, %swap3A_454], %swap3A_457 {strides = array<i32>} : memref<64x512xf32, #tpu.memory_space<vmem>>, vector<1x16xf32>,
      %mul3A_458 = arith.constant 2 : i32
      %mul3A_459 = arith.muli %scan3A_359, %mul3A_458 : i32
      %add3A_460 = arith.constant 0 : i32
      %add3A_461 = arith.addi %mul3A_459, %add3A_460 : i32
      %swap3A_462 = arith.index_cast %add3A_461 : i32 to index
      %swap3A_463 = arith.constant 176 : index
      %swap3A_464 = tpu.vector_load %arg7[%swap3A_462, %swap3A_463] {strides = array<i32>} : memref<64x512xf32, #tpu.memory_space<vmem>>, vector<1x16xf32>,
      %swap3A_465 = vector.shape_cast %swap3A_464 : vector<1x16xf32> to vector<16xf32>
      %swap3A_466 = vector.shape_cast %get3A_245 : vector<16xf32> to vector<1x16xf32>
      tpu.vector_store %arg7[%swap3A_462, %swap3A_463], %swap3A_466 {strides = array<i32>} : memref<64x512xf32, #tpu.memory_space<vmem>>, vector<1x16xf32>,
      %mul3A_467 = arith.constant 2 : i32
      %mul3A_468 = arith.muli %scan3A_359, %mul3A_467 : i32
      %add3A_469 = arith.constant 0 : i32
      %add3A_470 = arith.addi %mul3A_468, %add3A_469 : i32
      %swap3A_471 = arith.index_cast %add3A_470 : i32 to index
      %swap3A_472 = arith.constant 192 : index
      %swap3A_473 = tpu.vector_load %arg7[%swap3A_471, %swap3A_472] {strides = array<i32>} : memref<64x512xf32, #tpu.memory_space<vmem>>, vector<1x16xf32>,
      %swap3A_474 = vector.shape_cast %swap3A_473 : vector<1x16xf32> to vector<16xf32>
      %swap3A_475 = vector.shape_cast %get3A_250 : vector<16xf32> to vector<1x16xf32>
      tpu.vector_store %arg7[%swap3A_471, %swap3A_472], %swap3A_475 {strides = array<i32>} : memref<64x512xf32, #tpu.memory_space<vmem>>, vector<1x16xf32>,
      %mul3A_476 = arith.constant 2 : i32
      %mul3A_477 = arith.muli %scan3A_359, %mul3A_476 : i32
      %add3A_478 = arith.constant 0 : i32
      %add3A_479 = arith.addi %mul3A_477, %add3A_478 : i32
      %swap3A_480 = arith.index_cast %add3A_479 : i32 to index
      %swap3A_481 = arith.constant 208 : index
      %swap3A_482 = tpu.vector_load %arg7[%swap3A_480, %swap3A_481] {strides = array<i32>} : memref<64x512xf32, #tpu.memory_space<vmem>>, vector<1x16xf32>,
      %swap3A_483 = vector.shape_cast %swap3A_482 : vector<1x16xf32> to vector<16xf32>
      %swap3A_484 = vector.shape_cast %get3A_255 : vector<16xf32> to vector<1x16xf32>
      tpu.vector_store %arg7[%swap3A_480, %swap3A_481], %swap3A_484 {strides = array<i32>} : memref<64x512xf32, #tpu.memory_space<vmem>>, vector<1x16xf32>,
      %mul3A_485 = arith.constant 2 : i32
      %mul3A_486 = arith.muli %scan3A_359, %mul3A_485 : i32
      %add3A_487 = arith.constant 0 : i32
      %add3A_488 = arith.addi %mul3A_486, %add3A_487 : i32
      %swap3A_489 = arith.index_cast %add3A_488 : i32 to index
      %swap3A_490 = arith.constant 224 : index
      %swap3A_491 = tpu.vector_load %arg7[%swap3A_489, %swap3A_490] {strides = array<i32>} : memref<64x512xf32, #tpu.memory_space<vmem>>, vector<1x16xf32>,
      %swap3A_492 = vector.shape_cast %swap3A_491 : vector<1x16xf32> to vector<16xf32>
      %swap3A_493 = vector.shape_cast %get3A_260 : vector<16xf32> to vector<1x16xf32>
      tpu.vector_store %arg7[%swap3A_489, %swap3A_490], %swap3A_493 {strides = array<i32>} : memref<64x512xf32, #tpu.memory_space<vmem>>, vector<1x16xf32>,
      %mul3A_494 = arith.constant 2 : i32
      %mul3A_495 = arith.muli %scan3A_359, %mul3A_494 : i32
      %add3A_496 = arith.constant 0 : i32
      %add3A_497 = arith.addi %mul3A_495, %add3A_496 : i32
      %swap3A_498 = arith.index_cast %add3A_497 : i32 to index
      %swap3A_499 = arith.constant 240 : index
      %swap3A_500 = tpu.vector_load %arg7[%swap3A_498, %swap3A_499] {strides = array<i32>} : memref<64x512xf32, #tpu.memory_space<vmem>>, vector<1x16xf32>,
      %swap3A_501 = vector.shape_cast %swap3A_500 : vector<1x16xf32> to vector<16xf32>
      %swap3A_502 = vector.shape_cast %get3A_265 : vector<16xf32> to vector<1x16xf32>
      tpu.vector_store %arg7[%swap3A_498, %swap3A_499], %swap3A_502 {strides = array<i32>} : memref<64x512xf32, #tpu.memory_space<vmem>>, vector<1x16xf32>,
      %mul3A_503 = arith.constant 2 : i32
      %mul3A_504 = arith.muli %scan3A_359, %mul3A_503 : i32
      %add3A_505 = arith.constant 0 : i32
      %add3A_506 = arith.addi %mul3A_504, %add3A_505 : i32
      %swap3A_507 = arith.index_cast %add3A_506 : i32 to index
      %swap3A_508 = arith.constant 256 : index
      %swap3A_509 = tpu.vector_load %arg7[%swap3A_507, %swap3A_508] {strides = array<i32>} : memref<64x512xf32, #tpu.memory_space<vmem>>, vector<1x16xf32>,
      %swap3A_510 = vector.shape_cast %swap3A_509 : vector<1x16xf32> to vector<16xf32>
      %swap3A_511 = vector.shape_cast %get3A_270 : vector<16xf32> to vector<1x16xf32>
      tpu.vector_store %arg7[%swap3A_507, %swap3A_508], %swap3A_511 {strides = array<i32>} : memref<64x512xf32, #tpu.memory_space<vmem>>, vector<1x16xf32>,
      %mul3A_512 = arith.constant 2 : i32
      %mul3A_513 = arith.muli %scan3A_359, %mul3A_512 : i32
      %add3A_514 = arith.constant 0 : i32
      %add3A_515 = arith.addi %mul3A_513, %add3A_514 : i32
      %swap3A_516 = arith.index_cast %add3A_515 : i32 to index
      %swap3A_517 = arith.constant 272 : index
      %swap3A_518 = tpu.vector_load %arg7[%swap3A_516, %swap3A_517] {strides = array<i32>} : memref<64x512xf32, #tpu.memory_space<vmem>>, vector<1x16xf32>,
      %swap3A_519 = vector.shape_cast %swap3A_518 : vector<1x16xf32> to vector<16xf32>
      %swap3A_520 = vector.shape_cast %get3A_275 : vector<16xf32> to vector<1x16xf32>
      tpu.vector_store %arg7[%swap3A_516, %swap3A_517], %swap3A_520 {strides = array<i32>} : memref<64x512xf32, #tpu.memory_space<vmem>>, vector<1x16xf32>,
      %mul3A_521 = arith.constant 2 : i32
      %mul3A_522 = arith.muli %scan3A_359, %mul3A_521 : i32
      %add3A_523 = arith.constant 0 : i32
      %add3A_524 = arith.addi %mul3A_522, %add3A_523 : i32
      %swap3A_525 = arith.index_cast %add3A_524 : i32 to index
      %swap3A_526 = arith.constant 288 : index
      %swap3A_527 = tpu.vector_load %arg7[%swap3A_525, %swap3A_526] {strides = array<i32>} : memref<64x512xf32, #tpu.memory_space<vmem>>, vector<1x16xf32>,
      %swap3A_528 = vector.shape_cast %swap3A_527 : vector<1x16xf32> to vector<16xf32>
      %swap3A_529 = vector.shape_cast %get3A_280 : vector<16xf32> to vector<1x16xf32>
      tpu.vector_store %arg7[%swap3A_525, %swap3A_526], %swap3A_529 {strides = array<i32>} : memref<64x512xf32, #tpu.memory_space<vmem>>, vector<1x16xf32>,
      %mul3A_530 = arith.constant 2 : i32
      %mul3A_531 = arith.muli %scan3A_359, %mul3A_530 : i32
      %add3A_532 = arith.constant 0 : i32
      %add3A_533 = arith.addi %mul3A_531, %add3A_532 : i32
      %swap3A_534 = arith.index_cast %add3A_533 : i32 to index
      %swap3A_535 = arith.constant 304 : index
      %swap3A_536 = tpu.vector_load %arg7[%swap3A_534, %swap3A_535] {strides = array<i32>} : memref<64x512xf32, #tpu.memory_space<vmem>>, vector<1x16xf32>,
      %swap3A_537 = vector.shape_cast %swap3A_536 : vector<1x16xf32> to vector<16xf32>
      %swap3A_538 = vector.shape_cast %get3A_285 : vector<16xf32> to vector<1x16xf32>
      tpu.vector_store %arg7[%swap3A_534, %swap3A_535], %swap3A_538 {strides = array<i32>} : memref<64x512xf32, #tpu.memory_space<vmem>>, vector<1x16xf32>,
      %mul3A_539 = arith.constant 2 : i32
      %mul3A_540 = arith.muli %scan3A_359, %mul3A_539 : i32
      %add3A_541 = arith.constant 0 : i32
      %add3A_542 = arith.addi %mul3A_540, %add3A_541 : i32
      %swap3A_543 = arith.index_cast %add3A_542 : i32 to index
      %swap3A_544 = arith.constant 320 : index
      %swap3A_545 = tpu.vector_load %arg7[%swap3A_543, %swap3A_544] {strides = array<i32>} : memref<64x512xf32, #tpu.memory_space<vmem>>, vector<1x16xf32>,
      %swap3A_546 = vector.shape_cast %swap3A_545 : vector<1x16xf32> to vector<16xf32>
      %swap3A_547 = vector.shape_cast %get3A_290 : vector<16xf32> to vector<1x16xf32>
      tpu.vector_store %arg7[%swap3A_543, %swap3A_544], %swap3A_547 {strides = array<i32>} : memref<64x512xf32, #tpu.memory_space<vmem>>, vector<1x16xf32>,
      %mul3A_548 = arith.constant 2 : i32
      %mul3A_549 = arith.muli %scan3A_359, %mul3A_548 : i32
      %add3A_550 = arith.constant 0 : i32
      %add3A_551 = arith.addi %mul3A_549, %add3A_550 : i32
      %swap3A_552 = arith.index_cast %add3A_551 : i32 to index
      %swap3A_553 = arith.constant 336 : index
      %swap3A_554 = tpu.vector_load %arg7[%swap3A_552, %swap3A_553] {strides = array<i32>} : memref<64x512xf32, #tpu.memory_space<vmem>>, vector<1x16xf32>,
      %swap3A_555 = vector.shape_cast %swap3A_554 : vector<1x16xf32> to vector<16xf32>
      %swap3A_556 = vector.shape_cast %get3A_295 : vector<16xf32> to vector<1x16xf32>
      tpu.vector_store %arg7[%swap3A_552, %swap3A_553], %swap3A_556 {strides = array<i32>} : memref<64x512xf32, #tpu.memory_space<vmem>>, vector<1x16xf32>,
      %mul3A_557 = arith.constant 2 : i32
      %mul3A_558 = arith.muli %scan3A_359, %mul3A_557 : i32
      %add3A_559 = arith.constant 0 : i32
      %add3A_560 = arith.addi %mul3A_558, %add3A_559 : i32
      %swap3A_561 = arith.index_cast %add3A_560 : i32 to index
      %swap3A_562 = arith.constant 352 : index
      %swap3A_563 = tpu.vector_load %arg7[%swap3A_561, %swap3A_562] {strides = array<i32>} : memref<64x512xf32, #tpu.memory_space<vmem>>, vector<1x16xf32>,
      %swap3A_564 = vector.shape_cast %swap3A_563 : vector<1x16xf32> to vector<16xf32>
      %swap3A_565 = vector.shape_cast %get3A_300 : vector<16xf32> to vector<1x16xf32>
      tpu.vector_store %arg7[%swap3A_561, %swap3A_562], %swap3A_565 {strides = array<i32>} : memref<64x512xf32, #tpu.memory_space<vmem>>, vector<1x16xf32>,
      %mul3A_566 = arith.constant 2 : i32
      %mul3A_567 = arith.muli %scan3A_359, %mul3A_566 : i32
      %add3A_568 = arith.constant 0 : i32
      %add3A_569 = arith.addi %mul3A_567, %add3A_568 : i32
      %swap3A_570 = arith.index_cast %add3A_569 : i32 to index
      %swap3A_571 = arith.constant 368 : index
      %swap3A_572 = tpu.vector_load %arg7[%swap3A_570, %swap3A_571] {strides = array<i32>} : memref<64x512xf32, #tpu.memory_space<vmem>>, vector<1x16xf32>,
      %swap3A_573 = vector.shape_cast %swap3A_572 : vector<1x16xf32> to vector<16xf32>
      %swap3A_574 = vector.shape_cast %get3A_305 : vector<16xf32> to vector<1x16xf32>
      tpu.vector_store %arg7[%swap3A_570, %swap3A_571], %swap3A_574 {strides = array<i32>} : memref<64x512xf32, #tpu.memory_space<vmem>>, vector<1x16xf32>,
      %mul3A_575 = arith.constant 2 : i32
      %mul3A_576 = arith.muli %scan3A_359, %mul3A_575 : i32
      %add3A_577 = arith.constant 0 : i32
      %add3A_578 = arith.addi %mul3A_576, %add3A_577 : i32
      %swap3A_579 = arith.index_cast %add3A_578 : i32 to index
      %swap3A_580 = arith.constant 384 : index
      %swap3A_581 = tpu.vector_load %arg7[%swap3A_579, %swap3A_580] {strides = array<i32>} : memref<64x512xf32, #tpu.memory_space<vmem>>, vector<1x16xf32>,
      %swap3A_582 = vector.shape_cast %swap3A_581 : vector<1x16xf32> to vector<16xf32>
      %swap3A_583 = vector.shape_cast %get3A_310 : vector<16xf32> to vector<1x16xf32>
      tpu.vector_store %arg7[%swap3A_579, %swap3A_580], %swap3A_583 {strides = array<i32>} : memref<64x512xf32, #tpu.memory_space<vmem>>, vector<1x16xf32>,
      %mul3A_584 = arith.constant 2 : i32
      %mul3A_585 = arith.muli %scan3A_359, %mul3A_584 : i32
      %add3A_586 = arith.constant 0 : i32
      %add3A_587 = arith.addi %mul3A_585, %add3A_586 : i32
      %swap3A_588 = arith.index_cast %add3A_587 : i32 to index
      %swap3A_589 = arith.constant 400 : index
      %swap3A_590 = tpu.vector_load %arg7[%swap3A_588, %swap3A_589] {strides = array<i32>} : memref<64x512xf32, #tpu.memory_space<vmem>>, vector<1x16xf32>,
      %swap3A_591 = vector.shape_cast %swap3A_590 : vector<1x16xf32> to vector<16xf32>
      %swap3A_592 = vector.shape_cast %get3A_315 : vector<16xf32> to vector<1x16xf32>
      tpu.vector_store %arg7[%swap3A_588, %swap3A_589], %swap3A_592 {strides = array<i32>} : memref<64x512xf32, #tpu.memory_space<vmem>>, vector<1x16xf32>,
      %mul3A_593 = arith.constant 2 : i32
      %mul3A_594 = arith.muli %scan3A_359, %mul3A_593 : i32
      %add3A_595 = arith.constant 0 : i32
      %add3A_596 = arith.addi %mul3A_594, %add3A_595 : i32
      %swap3A_597 = arith.index_cast %add3A_596 : i32 to index
      %swap3A_598 = arith.constant 416 : index
      %swap3A_599 = tpu.vector_load %arg7[%swap3A_597, %swap3A_598] {strides = array<i32>} : memref<64x512xf32, #tpu.memory_space<vmem>>, vector<1x16xf32>,
      %swap3A_600 = vector.shape_cast %swap3A_599 : vector<1x16xf32> to vector<16xf32>
      %swap3A_601 = vector.shape_cast %get3A_320 : vector<16xf32> to vector<1x16xf32>
      tpu.vector_store %arg7[%swap3A_597, %swap3A_598], %swap3A_601 {strides = array<i32>} : memref<64x512xf32, #tpu.memory_space<vmem>>, vector<1x16xf32>,
      %mul3A_602 = arith.constant 2 : i32
      %mul3A_603 = arith.muli %scan3A_359, %mul3A_602 : i32
      %add3A_604 = arith.constant 0 : i32
      %add3A_605 = arith.addi %mul3A_603, %add3A_604 : i32
      %swap3A_606 = arith.index_cast %add3A_605 : i32 to index
      %swap3A_607 = arith.constant 432 : index
      %swap3A_608 = tpu.vector_load %arg7[%swap3A_606, %swap3A_607] {strides = array<i32>} : memref<64x512xf32, #tpu.memory_space<vmem>>, vector<1x16xf32>,
      %swap3A_609 = vector.shape_cast %swap3A_608 : vector<1x16xf32> to vector<16xf32>
      %swap3A_610 = vector.shape_cast %get3A_325 : vector<16xf32> to vector<1x16xf32>
      tpu.vector_store %arg7[%swap3A_606, %swap3A_607], %swap3A_610 {strides = array<i32>} : memref<64x512xf32, #tpu.memory_space<vmem>>, vector<1x16xf32>,
      %mul3A_611 = arith.constant 2 : i32
      %mul3A_612 = arith.muli %scan3A_359, %mul3A_611 : i32
      %add3A_613 = arith.constant 0 : i32
      %add3A_614 = arith.addi %mul3A_612, %add3A_613 : i32
      %swap3A_615 = arith.index_cast %add3A_614 : i32 to index
      %swap3A_616 = arith.constant 448 : index
      %swap3A_617 = tpu.vector_load %arg7[%swap3A_615, %swap3A_616] {strides = array<i32>} : memref<64x512xf32, #tpu.memory_space<vmem>>, vector<1x16xf32>,
      %swap3A_618 = vector.shape_cast %swap3A_617 : vector<1x16xf32> to vector<16xf32>
      %swap3A_619 = vector.shape_cast %get3A_330 : vector<16xf32> to vector<1x16xf32>
      tpu.vector_store %arg7[%swap3A_615, %swap3A_616], %swap3A_619 {strides = array<i32>} : memref<64x512xf32, #tpu.memory_space<vmem>>, vector<1x16xf32>,
      %mul3A_620 = arith.constant 2 : i32
      %mul3A_621 = arith.muli %scan3A_359, %mul3A_620 : i32
      %add3A_622 = arith.constant 0 : i32
      %add3A_623 = arith.addi %mul3A_621, %add3A_622 : i32
      %swap3A_624 = arith.index_cast %add3A_623 : i32 to index
      %swap3A_625 = arith.constant 464 : index
      %swap3A_626 = tpu.vector_load %arg7[%swap3A_624, %swap3A_625] {strides = array<i32>} : memref<64x512xf32, #tpu.memory_space<vmem>>, vector<1x16xf32>,
      %swap3A_627 = vector.shape_cast %swap3A_626 : vector<1x16xf32> to vector<16xf32>
      %swap3A_628 = vector.shape_cast %get3A_335 : vector<16xf32> to vector<1x16xf32>
      tpu.vector_store %arg7[%swap3A_624, %swap3A_625], %swap3A_628 {strides = array<i32>} : memref<64x512xf32, #tpu.memory_space<vmem>>, vector<1x16xf32>,
      %mul3A_629 = arith.constant 2 : i32
      %mul3A_630 = arith.muli %scan3A_359, %mul3A_629 : i32
      %add3A_631 = arith.constant 0 : i32
      %add3A_632 = arith.addi %mul3A_630, %add3A_631 : i32
      %swap3A_633 = arith.index_cast %add3A_632 : i32 to index
      %swap3A_634 = arith.constant 480 : index
      %swap3A_635 = tpu.vector_load %arg7[%swap3A_633, %swap3A_634] {strides = array<i32>} : memref<64x512xf32, #tpu.memory_space<vmem>>, vector<1x16xf32>,
      %swap3A_636 = vector.shape_cast %swap3A_635 : vector<1x16xf32> to vector<16xf32>
      %swap3A_637 = vector.shape_cast %get3A_340 : vector<16xf32> to vector<1x16xf32>
      tpu.vector_store %arg7[%swap3A_633, %swap3A_634], %swap3A_637 {strides = array<i32>} : memref<64x512xf32, #tpu.memory_space<vmem>>, vector<1x16xf32>,
      %mul3A_638 = arith.constant 2 : i32
      %mul3A_639 = arith.muli %scan3A_359, %mul3A_638 : i32
      %add3A_640 = arith.constant 0 : i32
      %add3A_641 = arith.addi %mul3A_639, %add3A_640 : i32
      %swap3A_642 = arith.index_cast %add3A_641 : i32 to index
      %swap3A_643 = arith.constant 496 : index
      %swap3A_644 = tpu.vector_load %arg7[%swap3A_642, %swap3A_643] {strides = array<i32>} : memref<64x512xf32, #tpu.memory_space<vmem>>, vector<1x16xf32>,
      %swap3A_645 = vector.shape_cast %swap3A_644 : vector<1x16xf32> to vector<16xf32>
      %swap3A_646 = vector.shape_cast %get3A_345 : vector<16xf32> to vector<1x16xf32>
      tpu.vector_store %arg7[%swap3A_642, %swap3A_643], %swap3A_646 {strides = array<i32>} : memref<64x512xf32, #tpu.memory_space<vmem>>, vector<1x16xf32>,
      %mul3A_647 = arith.constant 2 : i32
      %mul3A_648 = arith.muli %scan3A_359, %mul3A_647 : i32
      %add3A_649 = arith.constant 1 : i32
      %add3A_650 = arith.addi %mul3A_648, %add3A_649 : i32
      %swap3A_651 = arith.index_cast %add3A_650 : i32 to index
      %swap3A_652 = arith.constant 0 : index
      %swap3A_653 = tpu.vector_load %arg7[%swap3A_651, %swap3A_652] {strides = array<i32>} : memref<64x512xf32, #tpu.memory_space<vmem>>, vector<1x16xf32>,
      %swap3A_654 = vector.shape_cast %swap3A_653 : vector<1x16xf32> to vector<16xf32>
      %swap3A_655 = vector.shape_cast %get3A_190 : vector<16xf32> to vector<1x16xf32>
      tpu.vector_store %arg7[%swap3A_651, %swap3A_652], %swap3A_655 {strides = array<i32>} : memref<64x512xf32, #tpu.memory_space<vmem>>, vector<1x16xf32>,
      %mul3A_656 = arith.constant 2 : i32
      %mul3A_657 = arith.muli %scan3A_359, %mul3A_656 : i32
      %add3A_658 = arith.constant 1 : i32
      %add3A_659 = arith.addi %mul3A_657, %add3A_658 : i32
      %swap3A_660 = arith.index_cast %add3A_659 : i32 to index
      %swap3A_661 = arith.constant 16 : index
      %swap3A_662 = tpu.vector_load %arg7[%swap3A_660, %swap3A_661] {strides = array<i32>} : memref<64x512xf32, #tpu.memory_space<vmem>>, vector<1x16xf32>,
      %swap3A_663 = vector.shape_cast %swap3A_662 : vector<1x16xf32> to vector<16xf32>
      %swap3A_664 = vector.shape_cast %get3A_195 : vector<16xf32> to vector<1x16xf32>
      tpu.vector_store %arg7[%swap3A_660, %swap3A_661], %swap3A_664 {strides = array<i32>} : memref<64x512xf32, #tpu.memory_space<vmem>>, vector<1x16xf32>,
      %mul3A_665 = arith.constant 2 : i32
      %mul3A_666 = arith.muli %scan3A_359, %mul3A_665 : i32
      %add3A_667 = arith.constant 1 : i32
      %add3A_668 = arith.addi %mul3A_666, %add3A_667 : i32
      %swap3A_669 = arith.index_cast %add3A_668 : i32 to index
      %swap3A_670 = arith.constant 32 : index
      %swap3A_671 = tpu.vector_load %arg7[%swap3A_669, %swap3A_670] {strides = array<i32>} : memref<64x512xf32, #tpu.memory_space<vmem>>, vector<1x16xf32>,
      %swap3A_672 = vector.shape_cast %swap3A_671 : vector<1x16xf32> to vector<16xf32>
      %swap3A_673 = vector.shape_cast %get3A_200 : vector<16xf32> to vector<1x16xf32>
      tpu.vector_store %arg7[%swap3A_669, %swap3A_670], %swap3A_673 {strides = array<i32>} : memref<64x512xf32, #tpu.memory_space<vmem>>, vector<1x16xf32>,
      %mul3A_674 = arith.constant 2 : i32
      %mul3A_675 = arith.muli %scan3A_359, %mul3A_674 : i32
      %add3A_676 = arith.constant 1 : i32
      %add3A_677 = arith.addi %mul3A_675, %add3A_676 : i32
      %swap3A_678 = arith.index_cast %add3A_677 : i32 to index
      %swap3A_679 = arith.constant 48 : index
      %swap3A_680 = tpu.vector_load %arg7[%swap3A_678, %swap3A_679] {strides = array<i32>} : memref<64x512xf32, #tpu.memory_space<vmem>>, vector<1x16xf32>,
      %swap3A_681 = vector.shape_cast %swap3A_680 : vector<1x16xf32> to vector<16xf32>
      %swap3A_682 = vector.shape_cast %get3A_205 : vector<16xf32> to vector<1x16xf32>
      tpu.vector_store %arg7[%swap3A_678, %swap3A_679], %swap3A_682 {strides = array<i32>} : memref<64x512xf32, #tpu.memory_space<vmem>>, vector<1x16xf32>,
      %mul3A_683 = arith.constant 2 : i32
      %mul3A_684 = arith.muli %scan3A_359, %mul3A_683 : i32
      %add3A_685 = arith.constant 1 : i32
      %add3A_686 = arith.addi %mul3A_684, %add3A_685 : i32
      %swap3A_687 = arith.index_cast %add3A_686 : i32 to index
      %swap3A_688 = arith.constant 64 : index
      %swap3A_689 = tpu.vector_load %arg7[%swap3A_687, %swap3A_688] {strides = array<i32>} : memref<64x512xf32, #tpu.memory_space<vmem>>, vector<1x16xf32>,
      %swap3A_690 = vector.shape_cast %swap3A_689 : vector<1x16xf32> to vector<16xf32>
      %swap3A_691 = vector.shape_cast %get3A_210 : vector<16xf32> to vector<1x16xf32>
      tpu.vector_store %arg7[%swap3A_687, %swap3A_688], %swap3A_691 {strides = array<i32>} : memref<64x512xf32, #tpu.memory_space<vmem>>, vector<1x16xf32>,
      %mul3A_692 = arith.constant 2 : i32
      %mul3A_693 = arith.muli %scan3A_359, %mul3A_692 : i32
      %add3A_694 = arith.constant 1 : i32
      %add3A_695 = arith.addi %mul3A_693, %add3A_694 : i32
      %swap3A_696 = arith.index_cast %add3A_695 : i32 to index
      %swap3A_697 = arith.constant 80 : index
      %swap3A_698 = tpu.vector_load %arg7[%swap3A_696, %swap3A_697] {strides = array<i32>} : memref<64x512xf32, #tpu.memory_space<vmem>>, vector<1x16xf32>,
      %swap3A_699 = vector.shape_cast %swap3A_698 : vector<1x16xf32> to vector<16xf32>
      %swap3A_700 = vector.shape_cast %get3A_215 : vector<16xf32> to vector<1x16xf32>
      tpu.vector_store %arg7[%swap3A_696, %swap3A_697], %swap3A_700 {strides = array<i32>} : memref<64x512xf32, #tpu.memory_space<vmem>>, vector<1x16xf32>,
      %mul3A_701 = arith.constant 2 : i32
      %mul3A_702 = arith.muli %scan3A_359, %mul3A_701 : i32
      %add3A_703 = arith.constant 1 : i32
      %add3A_704 = arith.addi %mul3A_702, %add3A_703 : i32
      %swap3A_705 = arith.index_cast %add3A_704 : i32 to index
      %swap3A_706 = arith.constant 96 : index
      %swap3A_707 = tpu.vector_load %arg7[%swap3A_705, %swap3A_706] {strides = array<i32>} : memref<64x512xf32, #tpu.memory_space<vmem>>, vector<1x16xf32>,
      %swap3A_708 = vector.shape_cast %swap3A_707 : vector<1x16xf32> to vector<16xf32>
      %swap3A_709 = vector.shape_cast %get3A_220 : vector<16xf32> to vector<1x16xf32>
      tpu.vector_store %arg7[%swap3A_705, %swap3A_706], %swap3A_709 {strides = array<i32>} : memref<64x512xf32, #tpu.memory_space<vmem>>, vector<1x16xf32>,
      %mul3A_710 = arith.constant 2 : i32
      %mul3A_711 = arith.muli %scan3A_359, %mul3A_710 : i32
      %add3A_712 = arith.constant 1 : i32
      %add3A_713 = arith.addi %mul3A_711, %add3A_712 : i32
      %swap3A_714 = arith.index_cast %add3A_713 : i32 to index
      %swap3A_715 = arith.constant 112 : index
      %swap3A_716 = tpu.vector_load %arg7[%swap3A_714, %swap3A_715] {strides = array<i32>} : memref<64x512xf32, #tpu.memory_space<vmem>>, vector<1x16xf32>,
      %swap3A_717 = vector.shape_cast %swap3A_716 : vector<1x16xf32> to vector<16xf32>
      %swap3A_718 = vector.shape_cast %get3A_225 : vector<16xf32> to vector<1x16xf32>
      tpu.vector_store %arg7[%swap3A_714, %swap3A_715], %swap3A_718 {strides = array<i32>} : memref<64x512xf32, #tpu.memory_space<vmem>>, vector<1x16xf32>,
      %mul3A_719 = arith.constant 2 : i32
      %mul3A_720 = arith.muli %scan3A_359, %mul3A_719 : i32
      %add3A_721 = arith.constant 1 : i32
      %add3A_722 = arith.addi %mul3A_720, %add3A_721 : i32
      %swap3A_723 = arith.index_cast %add3A_722 : i32 to index
      %swap3A_724 = arith.constant 128 : index
      %swap3A_725 = tpu.vector_load %arg7[%swap3A_723, %swap3A_724] {strides = array<i32>} : memref<64x512xf32, #tpu.memory_space<vmem>>, vector<1x16xf32>,
      %swap3A_726 = vector.shape_cast %swap3A_725 : vector<1x16xf32> to vector<16xf32>
      %swap3A_727 = vector.shape_cast %get3A_230 : vector<16xf32> to vector<1x16xf32>
      tpu.vector_store %arg7[%swap3A_723, %swap3A_724], %swap3A_727 {strides = array<i32>} : memref<64x512xf32, #tpu.memory_space<vmem>>, vector<1x16xf32>,
      %mul3A_728 = arith.constant 2 : i32
      %mul3A_729 = arith.muli %scan3A_359, %mul3A_728 : i32
      %add3A_730 = arith.constant 1 : i32
      %add3A_731 = arith.addi %mul3A_729, %add3A_730 : i32
      %swap3A_732 = arith.index_cast %add3A_731 : i32 to index
      %swap3A_733 = arith.constant 144 : index
      %swap3A_734 = tpu.vector_load %arg7[%swap3A_732, %swap3A_733] {strides = array<i32>} : memref<64x512xf32, #tpu.memory_space<vmem>>, vector<1x16xf32>,
      %swap3A_735 = vector.shape_cast %swap3A_734 : vector<1x16xf32> to vector<16xf32>
      %swap3A_736 = vector.shape_cast %get3A_235 : vector<16xf32> to vector<1x16xf32>
      tpu.vector_store %arg7[%swap3A_732, %swap3A_733], %swap3A_736 {strides = array<i32>} : memref<64x512xf32, #tpu.memory_space<vmem>>, vector<1x16xf32>,
      %mul3A_737 = arith.constant 2 : i32
      %mul3A_738 = arith.muli %scan3A_359, %mul3A_737 : i32
      %add3A_739 = arith.constant 1 : i32
      %add3A_740 = arith.addi %mul3A_738, %add3A_739 : i32
      %swap3A_741 = arith.index_cast %add3A_740 : i32 to index
      %swap3A_742 = arith.constant 160 : index
      %swap3A_743 = tpu.vector_load %arg7[%swap3A_741, %swap3A_742] {strides = array<i32>} : memref<64x512xf32, #tpu.memory_space<vmem>>, vector<1x16xf32>,
      %swap3A_744 = vector.shape_cast %swap3A_743 : vector<1x16xf32> to vector<16xf32>
      %swap3A_745 = vector.shape_cast %get3A_240 : vector<16xf32> to vector<1x16xf32>
      tpu.vector_store %arg7[%swap3A_741, %swap3A_742], %swap3A_745 {strides = array<i32>} : memref<64x512xf32, #tpu.memory_space<vmem>>, vector<1x16xf32>,
      %mul3A_746 = arith.constant 2 : i32
      %mul3A_747 = arith.muli %scan3A_359, %mul3A_746 : i32
      %add3A_748 = arith.constant 1 : i32
      %add3A_749 = arith.addi %mul3A_747, %add3A_748 : i32
      %swap3A_750 = arith.index_cast %add3A_749 : i32 to index
      %swap3A_751 = arith.constant 176 : index
      %swap3A_752 = tpu.vector_load %arg7[%swap3A_750, %swap3A_751] {strides = array<i32>} : memref<64x512xf32, #tpu.memory_space<vmem>>, vector<1x16xf32>,
      %swap3A_753 = vector.shape_cast %swap3A_752 : vector<1x16xf32> to vector<16xf32>
      %swap3A_754 = vector.shape_cast %get3A_245 : vector<16xf32> to vector<1x16xf32>
      tpu.vector_store %arg7[%swap3A_750, %swap3A_751], %swap3A_754 {strides = array<i32>} : memref<64x512xf32, #tpu.memory_space<vmem>>, vector<1x16xf32>,
      %mul3A_755 = arith.constant 2 : i32
      %mul3A_756 = arith.muli %scan3A_359, %mul3A_755 : i32
      %add3A_757 = arith.constant 1 : i32
      %add3A_758 = arith.addi %mul3A_756, %add3A_757 : i32
      %swap3A_759 = arith.index_cast %add3A_758 : i32 to index
      %swap3A_760 = arith.constant 192 : index
      %swap3A_761 = tpu.vector_load %arg7[%swap3A_759, %swap3A_760] {strides = array<i32>} : memref<64x512xf32, #tpu.memory_space<vmem>>, vector<1x16xf32>,
      %swap3A_762 = vector.shape_cast %swap3A_761 : vector<1x16xf32> to vector<16xf32>
      %swap3A_763 = vector.shape_cast %get3A_250 : vector<16xf32> to vector<1x16xf32>
      tpu.vector_store %arg7[%swap3A_759, %swap3A_760], %swap3A_763 {strides = array<i32>} : memref<64x512xf32, #tpu.memory_space<vmem>>, vector<1x16xf32>,
      %mul3A_764 = arith.constant 2 : i32
      %mul3A_765 = arith.muli %scan3A_359, %mul3A_764 : i32
      %add3A_766 = arith.constant 1 : i32
      %add3A_767 = arith.addi %mul3A_765, %add3A_766 : i32
      %swap3A_768 = arith.index_cast %add3A_767 : i32 to index
      %swap3A_769 = arith.constant 208 : index
      %swap3A_770 = tpu.vector_load %arg7[%swap3A_768, %swap3A_769] {strides = array<i32>} : memref<64x512xf32, #tpu.memory_space<vmem>>, vector<1x16xf32>,
      %swap3A_771 = vector.shape_cast %swap3A_770 : vector<1x16xf32> to vector<16xf32>
      %swap3A_772 = vector.shape_cast %get3A_255 : vector<16xf32> to vector<1x16xf32>
      tpu.vector_store %arg7[%swap3A_768, %swap3A_769], %swap3A_772 {strides = array<i32>} : memref<64x512xf32, #tpu.memory_space<vmem>>, vector<1x16xf32>,
      %mul3A_773 = arith.constant 2 : i32
      %mul3A_774 = arith.muli %scan3A_359, %mul3A_773 : i32
      %add3A_775 = arith.constant 1 : i32
      %add3A_776 = arith.addi %mul3A_774, %add3A_775 : i32
      %swap3A_777 = arith.index_cast %add3A_776 : i32 to index
      %swap3A_778 = arith.constant 224 : index
      %swap3A_779 = tpu.vector_load %arg7[%swap3A_777, %swap3A_778] {strides = array<i32>} : memref<64x512xf32, #tpu.memory_space<vmem>>, vector<1x16xf32>,
      %swap3A_780 = vector.shape_cast %swap3A_779 : vector<1x16xf32> to vector<16xf32>
      %swap3A_781 = vector.shape_cast %get3A_260 : vector<16xf32> to vector<1x16xf32>
      tpu.vector_store %arg7[%swap3A_777, %swap3A_778], %swap3A_781 {strides = array<i32>} : memref<64x512xf32, #tpu.memory_space<vmem>>, vector<1x16xf32>,
      %mul3A_782 = arith.constant 2 : i32
      %mul3A_783 = arith.muli %scan3A_359, %mul3A_782 : i32
      %add3A_784 = arith.constant 1 : i32
      %add3A_785 = arith.addi %mul3A_783, %add3A_784 : i32
      %swap3A_786 = arith.index_cast %add3A_785 : i32 to index
      %swap3A_787 = arith.constant 240 : index
      %swap3A_788 = tpu.vector_load %arg7[%swap3A_786, %swap3A_787] {strides = array<i32>} : memref<64x512xf32, #tpu.memory_space<vmem>>, vector<1x16xf32>,
      %swap3A_789 = vector.shape_cast %swap3A_788 : vector<1x16xf32> to vector<16xf32>
      %swap3A_790 = vector.shape_cast %get3A_265 : vector<16xf32> to vector<1x16xf32>
      tpu.vector_store %arg7[%swap3A_786, %swap3A_787], %swap3A_790 {strides = array<i32>} : memref<64x512xf32, #tpu.memory_space<vmem>>, vector<1x16xf32>,
      %mul3A_791 = arith.constant 2 : i32
      %mul3A_792 = arith.muli %scan3A_359, %mul3A_791 : i32
      %add3A_793 = arith.constant 1 : i32
      %add3A_794 = arith.addi %mul3A_792, %add3A_793 : i32
      %swap3A_795 = arith.index_cast %add3A_794 : i32 to index
      %swap3A_796 = arith.constant 256 : index
      %swap3A_797 = tpu.vector_load %arg7[%swap3A_795, %swap3A_796] {strides = array<i32>} : memref<64x512xf32, #tpu.memory_space<vmem>>, vector<1x16xf32>,
      %swap3A_798 = vector.shape_cast %swap3A_797 : vector<1x16xf32> to vector<16xf32>
      %swap3A_799 = vector.shape_cast %get3A_270 : vector<16xf32> to vector<1x16xf32>
      tpu.vector_store %arg7[%swap3A_795, %swap3A_796], %swap3A_799 {strides = array<i32>} : memref<64x512xf32, #tpu.memory_space<vmem>>, vector<1x16xf32>,
      %mul3A_800 = arith.constant 2 : i32
      %mul3A_801 = arith.muli %scan3A_359, %mul3A_800 : i32
      %add3A_802 = arith.constant 1 : i32
      %add3A_803 = arith.addi %mul3A_801, %add3A_802 : i32
      %swap3A_804 = arith.index_cast %add3A_803 : i32 to index
      %swap3A_805 = arith.constant 272 : index
      %swap3A_806 = tpu.vector_load %arg7[%swap3A_804, %swap3A_805] {strides = array<i32>} : memref<64x512xf32, #tpu.memory_space<vmem>>, vector<1x16xf32>,
      %swap3A_807 = vector.shape_cast %swap3A_806 : vector<1x16xf32> to vector<16xf32>
      %swap3A_808 = vector.shape_cast %get3A_275 : vector<16xf32> to vector<1x16xf32>
      tpu.vector_store %arg7[%swap3A_804, %swap3A_805], %swap3A_808 {strides = array<i32>} : memref<64x512xf32, #tpu.memory_space<vmem>>, vector<1x16xf32>,
      %mul3A_809 = arith.constant 2 : i32
      %mul3A_810 = arith.muli %scan3A_359, %mul3A_809 : i32
      %add3A_811 = arith.constant 1 : i32
      %add3A_812 = arith.addi %mul3A_810, %add3A_811 : i32
      %swap3A_813 = arith.index_cast %add3A_812 : i32 to index
      %swap3A_814 = arith.constant 288 : index
      %swap3A_815 = tpu.vector_load %arg7[%swap3A_813, %swap3A_814] {strides = array<i32>} : memref<64x512xf32, #tpu.memory_space<vmem>>, vector<1x16xf32>,
      %swap3A_816 = vector.shape_cast %swap3A_815 : vector<1x16xf32> to vector<16xf32>
      %swap3A_817 = vector.shape_cast %get3A_280 : vector<16xf32> to vector<1x16xf32>
      tpu.vector_store %arg7[%swap3A_813, %swap3A_814], %swap3A_817 {strides = array<i32>} : memref<64x512xf32, #tpu.memory_space<vmem>>, vector<1x16xf32>,
      %mul3A_818 = arith.constant 2 : i32
      %mul3A_819 = arith.muli %scan3A_359, %mul3A_818 : i32
      %add3A_820 = arith.constant 1 : i32
      %add3A_821 = arith.addi %mul3A_819, %add3A_820 : i32
      %swap3A_822 = arith.index_cast %add3A_821 : i32 to index
      %swap3A_823 = arith.constant 304 : index
      %swap3A_824 = tpu.vector_load %arg7[%swap3A_822, %swap3A_823] {strides = array<i32>} : memref<64x512xf32, #tpu.memory_space<vmem>>, vector<1x16xf32>,
      %swap3A_825 = vector.shape_cast %swap3A_824 : vector<1x16xf32> to vector<16xf32>
      %swap3A_826 = vector.shape_cast %get3A_285 : vector<16xf32> to vector<1x16xf32>
      tpu.vector_store %arg7[%swap3A_822, %swap3A_823], %swap3A_826 {strides = array<i32>} : memref<64x512xf32, #tpu.memory_space<vmem>>, vector<1x16xf32>,
      %mul3A_827 = arith.constant 2 : i32
      %mul3A_828 = arith.muli %scan3A_359, %mul3A_827 : i32
      %add3A_829 = arith.constant 1 : i32
      %add3A_830 = arith.addi %mul3A_828, %add3A_829 : i32
      %swap3A_831 = arith.index_cast %add3A_830 : i32 to index
      %swap3A_832 = arith.constant 320 : index
      %swap3A_833 = tpu.vector_load %arg7[%swap3A_831, %swap3A_832] {strides = array<i32>} : memref<64x512xf32, #tpu.memory_space<vmem>>, vector<1x16xf32>,
      %swap3A_834 = vector.shape_cast %swap3A_833 : vector<1x16xf32> to vector<16xf32>
      %swap3A_835 = vector.shape_cast %get3A_290 : vector<16xf32> to vector<1x16xf32>
      tpu.vector_store %arg7[%swap3A_831, %swap3A_832], %swap3A_835 {strides = array<i32>} : memref<64x512xf32, #tpu.memory_space<vmem>>, vector<1x16xf32>,
      %mul3A_836 = arith.constant 2 : i32
      %mul3A_837 = arith.muli %scan3A_359, %mul3A_836 : i32
      %add3A_838 = arith.constant 1 : i32
      %add3A_839 = arith.addi %mul3A_837, %add3A_838 : i32
      %swap3A_840 = arith.index_cast %add3A_839 : i32 to index
      %swap3A_841 = arith.constant 336 : index
      %swap3A_842 = tpu.vector_load %arg7[%swap3A_840, %swap3A_841] {strides = array<i32>} : memref<64x512xf32, #tpu.memory_space<vmem>>, vector<1x16xf32>,
      %swap3A_843 = vector.shape_cast %swap3A_842 : vector<1x16xf32> to vector<16xf32>
      %swap3A_844 = vector.shape_cast %get3A_295 : vector<16xf32> to vector<1x16xf32>
      tpu.vector_store %arg7[%swap3A_840, %swap3A_841], %swap3A_844 {strides = array<i32>} : memref<64x512xf32, #tpu.memory_space<vmem>>, vector<1x16xf32>,
      %mul3A_845 = arith.constant 2 : i32
      %mul3A_846 = arith.muli %scan3A_359, %mul3A_845 : i32
      %add3A_847 = arith.constant 1 : i32
      %add3A_848 = arith.addi %mul3A_846, %add3A_847 : i32
      %swap3A_849 = arith.index_cast %add3A_848 : i32 to index
      %swap3A_850 = arith.constant 352 : index
      %swap3A_851 = tpu.vector_load %arg7[%swap3A_849, %swap3A_850] {strides = array<i32>} : memref<64x512xf32, #tpu.memory_space<vmem>>, vector<1x16xf32>,
      %swap3A_852 = vector.shape_cast %swap3A_851 : vector<1x16xf32> to vector<16xf32>
      %swap3A_853 = vector.shape_cast %get3A_300 : vector<16xf32> to vector<1x16xf32>
      tpu.vector_store %arg7[%swap3A_849, %swap3A_850], %swap3A_853 {strides = array<i32>} : memref<64x512xf32, #tpu.memory_space<vmem>>, vector<1x16xf32>,
      %mul3A_854 = arith.constant 2 : i32
      %mul3A_855 = arith.muli %scan3A_359, %mul3A_854 : i32
      %add3A_856 = arith.constant 1 : i32
      %add3A_857 = arith.addi %mul3A_855, %add3A_856 : i32
      %swap3A_858 = arith.index_cast %add3A_857 : i32 to index
      %swap3A_859 = arith.constant 368 : index
      %swap3A_860 = tpu.vector_load %arg7[%swap3A_858, %swap3A_859] {strides = array<i32>} : memref<64x512xf32, #tpu.memory_space<vmem>>, vector<1x16xf32>,
      %swap3A_861 = vector.shape_cast %swap3A_860 : vector<1x16xf32> to vector<16xf32>
      %swap3A_862 = vector.shape_cast %get3A_305 : vector<16xf32> to vector<1x16xf32>
      tpu.vector_store %arg7[%swap3A_858, %swap3A_859], %swap3A_862 {strides = array<i32>} : memref<64x512xf32, #tpu.memory_space<vmem>>, vector<1x16xf32>,
      %mul3A_863 = arith.constant 2 : i32
      %mul3A_864 = arith.muli %scan3A_359, %mul3A_863 : i32
      %add3A_865 = arith.constant 1 : i32
      %add3A_866 = arith.addi %mul3A_864, %add3A_865 : i32
      %swap3A_867 = arith.index_cast %add3A_866 : i32 to index
      %swap3A_868 = arith.constant 384 : index
      %swap3A_869 = tpu.vector_load %arg7[%swap3A_867, %swap3A_868] {strides = array<i32>} : memref<64x512xf32, #tpu.memory_space<vmem>>, vector<1x16xf32>,
      %swap3A_870 = vector.shape_cast %swap3A_869 : vector<1x16xf32> to vector<16xf32>
      %swap3A_871 = vector.shape_cast %get3A_310 : vector<16xf32> to vector<1x16xf32>
      tpu.vector_store %arg7[%swap3A_867, %swap3A_868], %swap3A_871 {strides = array<i32>} : memref<64x512xf32, #tpu.memory_space<vmem>>, vector<1x16xf32>,
      %mul3A_872 = arith.constant 2 : i32
      %mul3A_873 = arith.muli %scan3A_359, %mul3A_872 : i32
      %add3A_874 = arith.constant 1 : i32
      %add3A_875 = arith.addi %mul3A_873, %add3A_874 : i32
      %swap3A_876 = arith.index_cast %add3A_875 : i32 to index
      %swap3A_877 = arith.constant 400 : index
      %swap3A_878 = tpu.vector_load %arg7[%swap3A_876, %swap3A_877] {strides = array<i32>} : memref<64x512xf32, #tpu.memory_space<vmem>>, vector<1x16xf32>,
      %swap3A_879 = vector.shape_cast %swap3A_878 : vector<1x16xf32> to vector<16xf32>
      %swap3A_880 = vector.shape_cast %get3A_315 : vector<16xf32> to vector<1x16xf32>
      tpu.vector_store %arg7[%swap3A_876, %swap3A_877], %swap3A_880 {strides = array<i32>} : memref<64x512xf32, #tpu.memory_space<vmem>>, vector<1x16xf32>,
      %mul3A_881 = arith.constant 2 : i32
      %mul3A_882 = arith.muli %scan3A_359, %mul3A_881 : i32
      %add3A_883 = arith.constant 1 : i32
      %add3A_884 = arith.addi %mul3A_882, %add3A_883 : i32
      %swap3A_885 = arith.index_cast %add3A_884 : i32 to index
      %swap3A_886 = arith.constant 416 : index
      %swap3A_887 = tpu.vector_load %arg7[%swap3A_885, %swap3A_886] {strides = array<i32>} : memref<64x512xf32, #tpu.memory_space<vmem>>, vector<1x16xf32>,
      %swap3A_888 = vector.shape_cast %swap3A_887 : vector<1x16xf32> to vector<16xf32>
      %swap3A_889 = vector.shape_cast %get3A_320 : vector<16xf32> to vector<1x16xf32>
      tpu.vector_store %arg7[%swap3A_885, %swap3A_886], %swap3A_889 {strides = array<i32>} : memref<64x512xf32, #tpu.memory_space<vmem>>, vector<1x16xf32>,
      %mul3A_890 = arith.constant 2 : i32
      %mul3A_891 = arith.muli %scan3A_359, %mul3A_890 : i32
      %add3A_892 = arith.constant 1 : i32
      %add3A_893 = arith.addi %mul3A_891, %add3A_892 : i32
      %swap3A_894 = arith.index_cast %add3A_893 : i32 to index
      %swap3A_895 = arith.constant 432 : index
      %swap3A_896 = tpu.vector_load %arg7[%swap3A_894, %swap3A_895] {strides = array<i32>} : memref<64x512xf32, #tpu.memory_space<vmem>>, vector<1x16xf32>,
      %swap3A_897 = vector.shape_cast %swap3A_896 : vector<1x16xf32> to vector<16xf32>
      %swap3A_898 = vector.shape_cast %get3A_325 : vector<16xf32> to vector<1x16xf32>
      tpu.vector_store %arg7[%swap3A_894, %swap3A_895], %swap3A_898 {strides = array<i32>} : memref<64x512xf32, #tpu.memory_space<vmem>>, vector<1x16xf32>,
      %mul3A_899 = arith.constant 2 : i32
      %mul3A_900 = arith.muli %scan3A_359, %mul3A_899 : i32
      %add3A_901 = arith.constant 1 : i32
      %add3A_902 = arith.addi %mul3A_900, %add3A_901 : i32
      %swap3A_903 = arith.index_cast %add3A_902 : i32 to index
      %swap3A_904 = arith.constant 448 : index
      %swap3A_905 = tpu.vector_load %arg7[%swap3A_903, %swap3A_904] {strides = array<i32>} : memref<64x512xf32, #tpu.memory_space<vmem>>, vector<1x16xf32>,
      %swap3A_906 = vector.shape_cast %swap3A_905 : vector<1x16xf32> to vector<16xf32>
      %swap3A_907 = vector.shape_cast %get3A_330 : vector<16xf32> to vector<1x16xf32>
      tpu.vector_store %arg7[%swap3A_903, %swap3A_904], %swap3A_907 {strides = array<i32>} : memref<64x512xf32, #tpu.memory_space<vmem>>, vector<1x16xf32>,
      %mul3A_908 = arith.constant 2 : i32
      %mul3A_909 = arith.muli %scan3A_359, %mul3A_908 : i32
      %add3A_910 = arith.constant 1 : i32
      %add3A_911 = arith.addi %mul3A_909, %add3A_910 : i32
      %swap3A_912 = arith.index_cast %add3A_911 : i32 to index
      %swap3A_913 = arith.constant 464 : index
      %swap3A_914 = tpu.vector_load %arg7[%swap3A_912, %swap3A_913] {strides = array<i32>} : memref<64x512xf32, #tpu.memory_space<vmem>>, vector<1x16xf32>,
      %swap3A_915 = vector.shape_cast %swap3A_914 : vector<1x16xf32> to vector<16xf32>
      %swap3A_916 = vector.shape_cast %get3A_335 : vector<16xf32> to vector<1x16xf32>
      tpu.vector_store %arg7[%swap3A_912, %swap3A_913], %swap3A_916 {strides = array<i32>} : memref<64x512xf32, #tpu.memory_space<vmem>>, vector<1x16xf32>,
      %mul3A_917 = arith.constant 2 : i32
      %mul3A_918 = arith.muli %scan3A_359, %mul3A_917 : i32
      %add3A_919 = arith.constant 1 : i32
      %add3A_920 = arith.addi %mul3A_918, %add3A_919 : i32
      %swap3A_921 = arith.index_cast %add3A_920 : i32 to index
      %swap3A_922 = arith.constant 480 : index
      %swap3A_923 = tpu.vector_load %arg7[%swap3A_921, %swap3A_922] {strides = array<i32>} : memref<64x512xf32, #tpu.memory_space<vmem>>, vector<1x16xf32>,
      %swap3A_924 = vector.shape_cast %swap3A_923 : vector<1x16xf32> to vector<16xf32>
      %swap3A_925 = vector.shape_cast %get3A_340 : vector<16xf32> to vector<1x16xf32>
      tpu.vector_store %arg7[%swap3A_921, %swap3A_922], %swap3A_925 {strides = array<i32>} : memref<64x512xf32, #tpu.memory_space<vmem>>, vector<1x16xf32>,
      %mul3A_926 = arith.constant 2 : i32
      %mul3A_927 = arith.muli %scan3A_359, %mul3A_926 : i32
      %add3A_928 = arith.constant 1 : i32
      %add3A_929 = arith.addi %mul3A_927, %add3A_928 : i32
      %swap3A_930 = arith.index_cast %add3A_929 : i32 to index
      %swap3A_931 = arith.constant 496 : index
      %swap3A_932 = tpu.vector_load %arg7[%swap3A_930, %swap3A_931] {strides = array<i32>} : memref<64x512xf32, #tpu.memory_space<vmem>>, vector<1x16xf32>,
      %swap3A_933 = vector.shape_cast %swap3A_932 : vector<1x16xf32> to vector<16xf32>
      %swap3A_934 = vector.shape_cast %get3A_345 : vector<16xf32> to vector<1x16xf32>
      tpu.vector_store %arg7[%swap3A_930, %swap3A_931], %swap3A_934 {strides = array<i32>} : memref<64x512xf32, #tpu.memory_space<vmem>>, vector<1x16xf32>,
    }
    %scan3A_351 = arith.constant 32 : i32
    %dma_start3A_352 = arith.constant 0 : i32
    %dma_start3A_353 = tpu.memref_slice %arg4[%add3A_185, %dma_start3A_352] : memref<4096x1024xf32, #tpu.memory_space<hbm>> -> memref<64x512xf32, #tpu.memory_space<hbm>>
    %dma_start3A_354 = arith.constant 0 : i32
    %dma_start3A_355 = tpu.memref_slice %arg4[%add3A_185, %dma_start3A_354] : memref<4096x1024xf32, #tpu.memory_space<hbm>> -> memref<64x512xf32, #tpu.memory_space<hbm>>
    tpu.enqueue_dma source(%arg7 : memref<64x512xf32, #tpu.memory_space<vmem>>) target(%dma_start3A_355 : memref<64x512xf32, #tpu.memory_space<hbm>>) target_semaphore(%arg9 : memref<!tpu.dma_semaphore, #tpu.memory_space<semaphore_mem>>)
    %dma_wait3A = arith.constant 0 : i32
    %dma_wait3A_356 = tpu.memref_slice %arg4[%mul3A_6, %dma_wait3A] : memref<4096x1024xf32, #tpu.memory_space<hbm>> -> memref<128x1024xf32, #tpu.memory_space<hbm>>
    %dma_wait3A_357 = arith.constant 0 : i32
    %dma_wait3A_358 = tpu.memref_slice %arg4[%mul3A_6, %dma_wait3A_357] : memref<4096x1024xf32, #tpu.memory_space<hbm>> -> memref<128x1024xf32, #tpu.memory_space<hbm>>
    tpu.wait_dma2 semaphore(%arg9 : memref<!tpu.dma_semaphore, #tpu.memory_space<semaphore_mem>>) src(%dma_wait3A_358 : memref<128x1024xf32, #tpu.memory_space<hbm>>) dst(%dma_wait3A_356 : memref<128x1024xf32, #tpu.memory_space<hbm>>)
    return
  }
}

module attributes {stable_mosaic.version = 14 : i64} {
  func.func @_tables_kernel(%arg0: memref<1x512xf32, #tpu.memory_space<vmem>>, %arg1: memref<1x512xf32, #tpu.memory_space<vmem>>, %arg2: memref<1x512xf32, #tpu.memory_space<vmem>>, %arg3: memref<1x512xf32, #tpu.memory_space<vmem>>, %arg4: memref<1x4xf32, #tpu.memory_space<vmem>>, %arg5: memref<64x512xf32, #tpu.memory_space<vmem>>, %arg6: memref<64x512xf32, #tpu.memory_space<vmem>>) attributes {dimension_semantics = [], scalar_prefetch = 0 : i64, scratch_operands = 0 : i64, tpu.core_type = #tpu.core_type<tc>} {
    %iota3A = tpu.iota {dimensions = array<i32: 0>} : vector<64x1xi32>
    %convert_element_type3A = arith.sitofp %iota3A : vector<64x1xi32> to vector<64x1xf32>
    %get3A = arith.constant 0 : index
    %get3A_0 = arith.constant 0 : index
    %get3A_1 = vector.load %arg4[%get3A, %get3A_0] : memref<1x4xf32, #tpu.memory_space<vmem>>, vector<1x1xf32>
    %get3A_2 = vector.extract %get3A_1[0, 0] : f32 from vector<1x1xf32>
    %div3A = vector.broadcast %get3A_2 : f32 to vector<64x1xf32>
    %div3A_3 = arith.divf %convert_element_type3A, %div3A : vector<64x1xf32>
    %get3A_4 = arith.constant 0 : index
    %get3A_5 = arith.constant 1 : index
    %get3A_6 = vector.load %arg4[%get3A_4, %get3A_5] : memref<1x4xf32, #tpu.memory_space<vmem>>, vector<1x1xf32>
    %get3A_7 = vector.extract %get3A_6[0, 0] : f32 from vector<1x1xf32>
    %mul3A = vector.broadcast %get3A_7 : f32 to vector<64x1xf32>
    %mul3A_8 = arith.mulf %div3A_3, %mul3A : vector<64x1xf32>
    %get3A_9 = arith.constant 0 : index
    %get3A_10 = arith.constant 0 : index
    %get3A_11 = vector.load %arg0[%get3A_9, %get3A_10] : memref<1x512xf32, #tpu.memory_space<vmem>>, vector<1x512xf32>
    %mul3A_12 = vector.broadcast %mul3A_8 : vector<64x1xf32> to vector<64x512xf32>
    %mul3A_13 = vector.broadcast %get3A_11 : vector<1x512xf32> to vector<64x512xf32>
    %mul3A_14 = arith.mulf %mul3A_12, %mul3A_13 : vector<64x512xf32>
    %get3A_15 = arith.constant 0 : index
    %get3A_16 = arith.constant 0 : index
    %get3A_17 = vector.load %arg1[%get3A_15, %get3A_16] : memref<1x512xf32, #tpu.memory_space<vmem>>, vector<1x512xf32>
    %add3A = vector.broadcast %get3A_17 : vector<1x512xf32> to vector<64x512xf32>
    %add3A_18 = arith.addf %mul3A_14, %add3A : vector<64x512xf32>
    %sin3A = math.sin %add3A_18 : vector<64x512xf32>
    %swap3A = arith.constant 0 : index
    %swap3A_19 = arith.constant 0 : index
    %swap3A_20 = vector.load %arg5[%swap3A, %swap3A_19] : memref<64x512xf32, #tpu.memory_space<vmem>>, vector<64x512xf32>
    tpu.vector_store %arg5[%swap3A, %swap3A_19], %sin3A {strides = array<i32>} : memref<64x512xf32, #tpu.memory_space<vmem>>, vector<64x512xf32>,
    %get3A_21 = arith.constant 0 : index
    %get3A_22 = arith.constant 2 : index
    %get3A_23 = vector.load %arg4[%get3A_21, %get3A_22] : memref<1x4xf32, #tpu.memory_space<vmem>>, vector<1x1xf32>
    %get3A_24 = vector.extract %get3A_23[0, 0] : f32 from vector<1x1xf32>
    %div3A_25 = vector.broadcast %get3A_24 : f32 to vector<64x1xf32>
    %div3A_26 = arith.divf %convert_element_type3A, %div3A_25 : vector<64x1xf32>
    %get3A_27 = arith.constant 0 : index
    %get3A_28 = arith.constant 3 : index
    %get3A_29 = vector.load %arg4[%get3A_27, %get3A_28] : memref<1x4xf32, #tpu.memory_space<vmem>>, vector<1x1xf32>
    %get3A_30 = vector.extract %get3A_29[0, 0] : f32 from vector<1x1xf32>
    %mul3A_31 = vector.broadcast %get3A_30 : f32 to vector<64x1xf32>
    %mul3A_32 = arith.mulf %div3A_26, %mul3A_31 : vector<64x1xf32>
    %get3A_33 = arith.constant 0 : index
    %get3A_34 = arith.constant 0 : index
    %get3A_35 = vector.load %arg2[%get3A_33, %get3A_34] : memref<1x512xf32, #tpu.memory_space<vmem>>, vector<1x512xf32>
    %mul3A_36 = vector.broadcast %mul3A_32 : vector<64x1xf32> to vector<64x512xf32>
    %mul3A_37 = vector.broadcast %get3A_35 : vector<1x512xf32> to vector<64x512xf32>
    %mul3A_38 = arith.mulf %mul3A_36, %mul3A_37 : vector<64x512xf32>
    %get3A_39 = arith.constant 0 : index
    %get3A_40 = arith.constant 0 : index
    %get3A_41 = vector.load %arg3[%get3A_39, %get3A_40] : memref<1x512xf32, #tpu.memory_space<vmem>>, vector<1x512xf32>
    %add3A_42 = vector.broadcast %get3A_41 : vector<1x512xf32> to vector<64x512xf32>
    %add3A_43 = arith.addf %mul3A_38, %add3A_42 : vector<64x512xf32>
    %sin3A_44 = math.sin %add3A_43 : vector<64x512xf32>
    %swap3A_45 = arith.constant 0 : index
    %swap3A_46 = arith.constant 0 : index
    %swap3A_47 = vector.load %arg6[%swap3A_45, %swap3A_46] : memref<64x512xf32, #tpu.memory_space<vmem>>, vector<64x512xf32>
    tpu.vector_store %arg6[%swap3A_45, %swap3A_46], %sin3A_44 {strides = array<i32>} : memref<64x512xf32, #tpu.memory_space<vmem>>, vector<64x512xf32>,
    return
  }
}

</mosaic_0001>

<sc_bundles>
// kernel: kernel.4.cloned.1.call-start
scs
__scs_entry_jumppad:
0x0: {  	(pc) =	sbr.rel $0x88, $3  }
0x1: {  	(tag) =	ssettag $0x0;
	lr =	simm.s32 $0x1  }
0x2: {  	[smem:$0x3F99] =	sst lr;
	_ =	strace $0xD0000000  }
0x3: {  	_ = 	snop  }
0x4: {  	_ = 	snop  }
0x5: {  	_ = 	snop  }
0x6: {  	_ = 	snop  }
0x7: {  	_ = 	snop  }
__scs_overlays_trampoline_lowered:
0x8: {  	[smem:$0x3FA8] =	sst s0  }
0x9: {  	[smem:$0x3FA9] =	sst s1  }
0xa: {  	[smem:$0x3FAA] =	sst s2  }
0xb: {  	[smem:$0x3FAB] =	sst s3  }
0xc: {  	[smem:$0x3FAC] =	sst s4  }
0xd: {  	[smem:$0x3FAD] =	sst s5  }
0xe: {  	[smem:$0x3FAE] =	sst s6  }
0xf: {  	[smem:$0x3FAF] =	sst s7  }
0x10: {  	[smem:$0x3FB0] =	sst s8  }
0x11: {  	[smem:$0x3FB1] =	sst s9;
	s0 =	simm.s32 @!p0 $0x0  }
0x12: {  	s1 =	sld [smem:$0x3F97];
	s0 =	simm.s32 @p0 $0x1  }
0x13: {  	[smem:$0x3FB2] =	sst s0;
	s0 =	simm.s32 @!p1 $0x0  }
0x14: {  	s2 =	sld [smem:$0x3F96];
	s0 =	simm.s32 @p1 $0x1  }
0x15: {  	[smem:$0x3FB3] =	sst s0;
	s0 =	simm.s32 @!p2 $0x0  }
0x16: {  	s3 =	sld [smem:$0x3FDB];
	s0 =	simm.s32 @p2 $0x1  }
0x17: {  	s4 =	simm.s32 $0x1BF5;
	[smem:$0x3FB5] =	sst s0  }
0x18: {  	s0 =	sld [smem:$0x3F98];
	_ =	swait.ge [sflag:s4], $0x0  }
0x19: {  	s7 =	sld [smem:$0x3F99]  }
0x1a: {  	s8 =	sadd.s32 $0xFFFFE003, lr  }
0x1b: {  	s9 =	sadd.s32 $0xFFFFFEF7, lr;
	s5 =	simm.s32 $0xFFFFFFFF;
	p2 =	slt.u32 s8, $0xFFFFF086  }
0x1c: {  	p1 =	slt.u32 s9, $0xF7A;
	s5 =	simm.s32 @!p2 $0x0  }
0x1d: {  	s5 =	simm.s32 @p1 $0x1;
	p0 =	seq.s32 s7, s2  }
0x1e: {  	s7 =	smul.u32 @!p0 $0xF7A, s2;
	p2 =	seq.s32 @!p0 s5, $0x0  }
0x1f: {  	s9 =	smul.u32 $0xF7A, s1;
	s8 =	simm.s32 @!p0 $0x1BF5;
	p2 =	por !p2, p0  }
0x20: {  	[sflag:s8] =	ssyncset.s32 @!p0 $0xFFFFF086;
	s6 =	sadd.s32 @!p0 s3, s7;
	s7 =	simm.s32 @!p0 $0x108  }
0x21: {  	s3 =	sadd.s32 s3, s9;
	s6 =	sadd.s32 @!p0 $0x88, s6;
	s7 =	simm.s32 @p2 $0x1082  }
0x22: {  	[simem:s7], [sflag:s8] =	dma.local @!p0 [hbm:s6], $0xF7A  }
0x23: {  	s9 =	sor.u32 $0xD0000000, s2;
	s6 =	simm.s32 $0x108;
	_ =	swait.ge @!p0 [sflag:s8], $0x0  }
0x24: {  	s3 =	sadd.s32 $0x88, s3;
	s6 =	simm.s32 @!p1 $0x1082;
	[sflag:s4] =	ssyncset.s32 $0xFFFFF086  }
0x25: {  	[simem:s6], [sflag:s4] =	dma.local [hbm:s3], $0xF7A  }
0x26: {  	[smem:$0x3F99] =	sst s1;
	(tag) =	ssettag s2;
	_ =	strace s9  }
0x27: {  	s1 =	sld [smem:$0x3FA9]  }
0x28: {  	s2 =	sld [smem:$0x3FAA]  }
0x29: {  	s4 =	sld [smem:$0x3FAC]  }
0x2a: {  	p0 =	seq.s32 s5, $0x0;
	s5 =	sld [smem:$0x3FAD]  }
0x2b: {  	s6 =	sld [smem:$0x3FAE]  }
0x2c: {  	s7 =	sld [smem:$0x3FAF]  }
0x2d: {  	s3 =	simm.s32 $0x108;
	s8 =	sld [smem:$0x3FB0]  }
0x2e: {  	s3 =	simm.s32 @!p0 $0x1082;
	s9 =	sld [smem:$0x3FB1]  }
0x2f: {  	lr =	sadd.s32 s0, s3;
	s0 =	sld [smem:$0x3FA8]  }
0x30: {  	s3 =	sld [smem:$0x3FAB]  }
0x31: {  	[smem:$0x3FB4] =	sst s10  }
0x32: {  	s10 =	sld [smem:$0x3FB2];
	_ =	sdelay $0x3  }
0x33: {  	p0 =	seq.s32 s10, $0x1;
	s10 =	sld [smem:$0x3FB4];
	_ =	sdelay $0x3  }
0x34: {  	[smem:$0x3FB4] =	sst s10  }
0x35: {  	s10 =	sld [smem:$0x3FB3];
	_ =	sdelay $0x3  }
0x36: {  	p1 =	seq.s32 s10, $0x1;
	s10 =	sld [smem:$0x3FB4];
	_ =	sdelay $0x3  }
0x37: {  	[smem:$0x3FB4] =	sst s10  }
0x38: {  	s10 =	sld [smem:$0x3FB5]  }
0x39: {  	_ = 	snop;
	(pc) =	sbr.ind lr, $3  }
0x3a: {  	_ = 	snop  }
0x3b: {  	_ = 	snop  }
0x3c: {  	p2 =	seq.s32 s10, $0x1;
	s10 =	sld [smem:$0x3FB4]  }
0x3d: {  	_ =	shalt  }
0x3e: {  	_ =	shalt  }
0x3f: {  	_ =	shalt  }
0x40: {  	_ =	shalt  }
0x41: {  	_ =	shalt  }
0x42: {  	_ =	shalt  }
0x43: {  	_ =	shalt  }
0x44: {  	_ =	shalt  }
0x45: {  	_ =	shalt  }
0x46: {  	_ =	shalt  }
0x47: {  	_ =	shalt  }
0x48: {  	_ =	shalt  }
0x49: {  	_ =	shalt  }
0x4a: {  	_ =	shalt  }
0x4b: {  	_ =	shalt  }
0x4c: {  	_ =	shalt  }
0x4d: {  	_ =	shalt  }
0x4e: {  	_ =	shalt  }
0x4f: {  	_ =	shalt  }
0x50: {  	_ =	shalt  }
0x51: {  	_ =	shalt  }
0x52: {  	_ =	shalt  }
0x53: {  	_ =	shalt  }
0x54: {  	_ =	shalt  }
0x55: {  	_ =	shalt  }
0x56: {  	_ =	shalt  }
0x57: {  	_ =	shalt  }
0x58: {  	_ =	shalt  }
0x59: {  	_ =	shalt  }
0x5a: {  	_ =	shalt  }
0x5b: {  	_ =	shalt  }
0x5c: {  	_ =	shalt  }
0x5d: {  	_ =	shalt  }
0x5e: {  	_ =	shalt  }
0x5f: {  	_ =	shalt  }
0x60: {  	_ =	shalt  }
0x61: {  	_ =	shalt  }
0x62: {  	_ =	shalt  }
0x63: {  	_ =	shalt  }
0x64: {  	_ =	shalt  }
0x65: {  	_ =	shalt  }
0x66: {  	_ =	shalt  }
0x67: {  	_ =	shalt  }
0x68: {  	_ =	shalt  }
0x69: {  	_ =	shalt  }
0x6a: {  	_ =	shalt  }
0x6b: {  	_ =	shalt  }
0x6c: {  	_ =	shalt  }
0x6d: {  	_ =	shalt  }
0x6e: {  	_ =	shalt  }
0x6f: {  	_ =	shalt  }
0x70: {  	_ =	shalt  }
0x71: {  	_ =	shalt  }
0x72: {  	_ =	shalt  }
0x73: {  	_ =	shalt  }
0x74: {  	_ =	shalt  }
0x75: {  	_ =	shalt  }
0x76: {  	_ =	shalt  }
0x77: {  	_ =	shalt  }
0x78: {  	_ =	shalt  }
0x79: {  	_ =	shalt  }
0x7a: {  	_ =	shalt  }
0x7b: {  	_ =	shalt  }
0x7c: {  	_ =	shalt  }
0x7d: {  	_ =	shalt  }
0x7e: {  	_ =	shalt  }
0x7f: {  	_ =	shalt  }
0x80: {  	_ =	shalt  }
0x81: {  	_ =	shalt  }
0x82: {  	_ =	shalt  }
0x83: {  	_ =	shalt  }
0x84: {  	_ =	shalt  }
0x85: {  	_ =	shalt  }
0x86: {  	_ =	shalt  }
0x87: {  	_ =	shalt  }
.Lfunc_end0:
.L_simem_size_0:
called_computation_lowered:
.L_overlay_start_0:
0x88: {  	s2 =	sld [smem:$0x3FD9]  }
0x89: {  	s3 =	sld [smem:$0x3FFE];
	_ =	sdelay $0x1  }
0x8a: {  	s1 =	srdreg.scid  }
0x8b: {  	s0 =	sand.u32 $0x1, s1  }
0x8c: {  	s17 =	sshll.u32 s0, $0xA;
	s2 =	sadd.s32 s3, s2  }
0x8d: {  	s2 =	sadd.s32 s2, s17  }
0x8e: {  	[smem:$0x3FC0] =	sst s2  }
0x8f: {  	_ = 	snop  }
0x90: {  	s2 =	sld [smem:$0x3FD0];
	(tm) =	ssettm $0x1  }
0x91: {  	s18 =	sld [smem:$0x3FFB];
	_ =	sdelay $0x3  }
0x92: {  	_ =	strace s18  }
0x93: {  	s3 =	sld [smem:$0x3FFC];
	_ =	sdelay $0x3  }
0x94: {  	_ =	strace s3  }
0x95: {  	s3 =	sld [smem:$0x3FFD];
	_ =	sdelay $0x3  }
0x96: {  	_ =	strace s3  }
0x97: {  	_ =	strace $0x8FFFFFFF  }
0x98: {  	s19 =	sld [smem:$0x3FDB];
	_ =	sdelay $0x1  }
0x99: {  	s4 =	simm.s32 $_scs_section_size  }
0x9a: {  	s5 =	simm.s32 $_size__tile_overlayer_lowered;
	s6 =	simm.s32 $_tile_overlayer_lowered  }
0x9b: {  	s22 =	simm.s32 $0x1BFF;
	s21 =	sshll.u32 s6, $0x1;
	s3 =	sadd.s32 s4, s19  }
0x9c: {  	s7 =	simm.s32 $0x0;
	s20 =	sshll.u32 s5, $0x1;
	s5 =	sadd.s32 s21, s3  }
0x9d: {  	[timem:s7], [sflag:s22] =	dma.local [hbm:s5], s20  }
0x9e: {  	_ =	swait.ge [sflag:s22], s20  }
0x9f: {  	s4 =	ssub.s32 $0x0, s20;
	[sflag:s22] =	ssyncset.done $0x0  }
0xa0: {  	[sflag:s22] =	ssyncadd.s32 s4;
	_ =	sdelay $0x1  }
0xa1: {  	s23 =	simm.s32 $0x1B8B  }
0xa2: {  	_ =	swait.ge [sflag:s23], $0x1  }
0xa3: {  	[sflag:s23] =	ssyncset.done $0x0  }
0xa4: {  	s25 =	simm.s32 $0x1B8E;
	s24 =	sld [smem:$0x3FFE];
	[sflag:s23] =	ssyncadd.s32 $0xFFFFFFFF  }
0xa5: {  	s26 =	simm.s32 $execute0_lowered;
	[smem:$0x3FD2] =	sst s25  }
0xa6: {  	s5 =	sshll.u32 s26, $0x1;
	_ =	strace $0x80000046;
	[dreg:$0x1] =	wrdreg $0xFFFFFFFF  }
0xa7: {  	s28 =	simm.s32 $_size_execute0_lowered;
	s3 =	sadd.s32 s3, s5;
	[dreg:$0x0] =	wrdreg $0x0  }
0xa8: {  	s5 =	sshll.u32 s28, $0x1;
	[dreg:$0x2] =	wrdreg s3  }
0xa9: {  	[dreg:$0x3] =	wrdreg s5  }
0xaa: {  	[dreg:$0x4] =	wrdreg $0xC0  }
0xab: {  	_ =	task [dreg:s7], $0x5FFFF  }
0xac: {  	[dreg:$0x1] =	wrdreg $0xFFFFFFFF  }
0xad: {  	[dreg:$0x0] =	wrdreg $0x60  }
0xae: {  	[dreg:$0x2] =	wrdreg s24  }
0xaf: {  	[dreg:$0x3] =	wrdreg s2  }
0xb0: {  	[dreg:$0x4] =	wrdreg $0x104000  }
0xb1: {  	[dreg:$0x5] =	wrdreg $0x9  }
0xb2: {  	_ =	task.clear_ibuf [dreg:s7], $0x6FFFF;
	_ =	strace $0x90000046  }
0xb3: {  	s29 =	simm.s32 $0x9;
	_ =	strace $0x80000048  }
0xb4: {  	_ =	swait.ge [sflag:s29], $0x1  }
0xb5: {  	[sflag:s29] =	ssyncadd.s32 $0xFFFFFFFF  }
0xb6: {  	_ =	strace $0x90000048  }
0xb7: {  	_ =	sfence  }
0xb8: {  	s30 =	sld [smem:$0x0];
	_ =	sdelay $0x2  }
0xb9: {  	s31 =	sshll.u32 s1, $0xD;
	s1 =	sshrl.u32 s1, $0x2  }
0xba: {  	s3 =	sand.u32 $0x4000, s31;
	s1 =	sadd.s32 s1, s30  }
0xbb: {  	s0 =	sor.u32 s3, s0;
	s1 =	sshll.u32 s1, $0x11  }
0xbc: {  	s0 =	sor.u32 s1, s0  }
0xbd: {  	s0 =	sadd.s32 $0x8F2B, s0  }
0xbe: {  	[sflag:s0] =	ssyncadd.remote.s32 $0x1  }
0xbf: {  	_ =	sfence.sel $0xFFFF  }
0xc0: {  	[dreg:$0x0] =	wrdreg $0xFFFFFFFF;
	(pc) =	sbr.abs _section_cstart, $3  }
0xc1: {  	[dreg:$0x1] =	wrdreg $0xFFFFFFFF  }
0xc2: {  	_ =	task.clear_ibuf [dreg:s7], $0x2FFFF;
	_ =	strace $0x9FFFFFFF  }
0xc3: {  	(tm) =	ssettm $0x7FFFFFFF  }
tec
execute0_lowered:
.L_overlay_start_1:
0x0: {  	(tag) =	ssettag $0x1  }
0x1: {  	s3 =	rddreg [dreg:$0x0]  }
0x2: {  	s5 =	rddreg [dreg:$0x1]  }
0x3: {  	s16 =	rddreg [dreg:$0x2];
	s2 =	simm.s32 $0x0;
	s0 =	stileid.u32  }
0x4: {  	s6 =	srdreg.scid;
	s13 =	simm.s32 $0x400;
	s14 =	simm.s32 $0x2  }
0x5: {  	s17 =	simm.s32 $0x20;
	s18 =	simm.s32 $0x200;
	s19 =	simm.s32 $0x1000  }
0x6: {  	s20 =	simm.s32 $0x2000;
	s22 =	simm.s32 $0x1;
	s23 =	simm.s32 $0x0  }
0x7: {  	[smem:$0x7FF] =	sst s2;
	s4 =	sshll.u32 s0, $0x8;
	s6 =	sand.u32 $0x1, s6  }
0x8: {  	s7 =	sshll.u32 s0, $0x1;
	s8 =	sshll.u32 s0, $0x9;
	s31 =	sshll.u32 s0, $0xC  }
0x9: {  	p0 =	sgt.u32 s0, $0x7;
	s15 =	sshll.u32 s0, $0x6;
	_ =	strace $0x80000047  }
0xa: {  	s4 =	sand.u32 $0xE00, s4;
	s9 =	ssub.s32 $0x2, s6;
	s6 =	sor.u32 s6, s7  }
0xb: {  	s11 =	sadd.s32 s31, s16;
	s10 =	sshll.u32 @!p0 s0, $0x6;
	s15 =	sor.u32 $0x1C01, s15  }
0xc: {  	s16 =	sshrl.u32 s16, $0x3;
	s4 =	sadd.s32 s4, s3;
	s3 =	sadd.s32 s8, s3  }
0xd: {  	s28 =	sshrl.u32 s9, $0x1;
	s29 =	sshll.u32 s6, $0x5;
	s6 =	sshll.u32 s6, $0xE  }
0xe: {  	s10 =	sor.u32 @!p0 $0x1C02, s10;
	s11 =	sshrl.u32 @!p0 s11, $0x3;
	s9 =	ssub.s32 s9, s28  }
0xf: {  	s3 =	sadd.s32 $0x2200, s3;
	s30 =	sand.u32 $0x60, s29;
	s5 =	sadd.s32 s5, s6  }
0x10: {  	s4 =	sadd.s32 s30, s4;
	s6 =	sadd.s32 $0x200, s5;
	s7 =	sadd.s32 $0x2200, s5  }
0x11: {  	s8 =	sadd.s32 $0x2000, s5;
	s9 =	smax.u32 s9, $0x1;
	s4 =	sadd.s32 $0x1200, s4  }
.LBB2_1:
0x12: {  	[spmem:s11], [sflag:s10] =	dma.local @!p0 [hbm:s3], $0x200  }
0x13: {  	s24 =	simm.s32 @!p0 $0x2  }
0x14: {  	_ =	swait.ge @!p0 [sflag:s24], $0x200  }
0x15: {  	[sflag:s24] =	ssyncset.done @!p0 $0x0  }
0x16: {  	s0 =	simm.s32 $0x100;
	[sflag:s24] =	ssyncadd.s32 @!p0 $0xFFFFFE00  }
0x17: {  	[tilespmem:s2], [sflag:$0x2] =	stream.strided.gather [hbm4b:s4+s0], $0x400, s13, s0, $0x38;
	[tilespmem:$0x10C00] =	vst v63  }
0x18: {  	_ =	swait.ge [sflag:s14], $0x400  }
0x19: {  	[sflag:s14] =	ssyncset.done $0x0  }
0x1a: {  	[sflag:s14] =	ssyncadd.s32 $0xFFFFFC00  }
0x1b: {  	[bflag:$0x0] =	sbarrier.arrive $0xFFFF  }
0x1c: {  	[hbm:s6@s13], [sflag:s15] =	dma.strided [spmem:s16@s18], $0x1000, s17, $0x10   }
0x1d: {  	[hbm:s7@s13], [sflag:s15] =	dma.strided [spmem:s16@s18], $0x1000, s17, $0x10   }
0x1e: {  	v0 =	vld [tilespmem:$0x0]  }
0x1f: {  	v1 =	vld [tilespmem:$0x10]  }
0x20: {  	v2 =	vld [tilespmem:$0x20]  }
0x21: {  	v3 =	vld [tilespmem:$0x30]  }
0x22: {  	v4 =	vld [tilespmem:$0x40]  }
0x23: {  	v5 =	vld [tilespmem:$0x50]  }
0x24: {  	v6 =	vld [tilespmem:$0x60]  }
0x25: {  	v7 =	vld [tilespmem:$0x70]  }
0x26: {  	v8 =	vld [tilespmem:$0x100]  }
0x27: {  	v9 =	vld [tilespmem:$0x110]  }
0x28: {  	v10 =	vld [tilespmem:$0x120]  }
0x29: {  	v11 =	vld [tilespmem:$0x130]  }
0x2a: {  	v12 =	vld [tilespmem:$0x140]  }
0x2b: {  	v13 =	vld [tilespmem:$0x150]  }
0x2c: {  	v14 =	vld [tilespmem:$0x160]  }
0x2d: {  	v15 =	vld [tilespmem:$0x170]  }
0x2e: {  	v16 =	vld [tilespmem:$0x200]  }
0x2f: {  	v17 =	vld [tilespmem:$0x210]  }
0x30: {  	v18 =	vld [tilespmem:$0x220]  }
0x31: {  	v19 =	vld [tilespmem:$0x230]  }
0x32: {  	v20 =	vld [tilespmem:$0x240]  }
0x33: {  	v21 =	vld [tilespmem:$0x250]  }
0x34: {  	v22 =	vld [tilespmem:$0x260]  }
0x35: {  	v23 =	vld [tilespmem:$0x270]  }
0x36: {  	v24 =	vld [tilespmem:$0x300]  }
0x37: {  	v25 =	vld [tilespmem:$0x310]  }
0x38: {  	v26 =	vld [tilespmem:$0x320]  }
0x39: {  	v27 =	vld [tilespmem:$0x330]  }
0x3a: {  	v28 =	vld [tilespmem:$0x340]  }
0x3b: {  	s21 =	sand.u32 $0x7000, s2;
	s25 =	sand.u32 $0x300, s2;
	v30 =	vld [tilespmem:$0x350]  }
0x3c: {  	s24 =	sor.u32 s25, s21;
	v29 =	vld [tilespmem:$0x360]  }
0x3d: {  	v31 =	vld [tilespmem:$0x370];
	[tilespmem:s24+$0xC50] =	vst v21  }
0x3e: {  	[tilespmem:s24+$0xC60] =	vst v22  }
0x3f: {  	[tilespmem:s24+$0xC70] =	vst v23  }
0x40: {  	[tilespmem:s24+$0xC40] =	vst v20  }
0x41: {  	[tilespmem:s24+$0x870] =	vst v15  }
0x42: {  	[tilespmem:s24+$0x860] =	vst v14  }
0x43: {  	[tilespmem:s24+$0x470] =	vst v7  }
0x44: {  	[tilespmem:s24+$0x850] =	vst v13  }
0x45: {  	[tilespmem:s24+$0x450] =	vst v5  }
0x46: {  	[tilespmem:s24+$0x840] =	vst v12  }
0x47: {  	[tilespmem:s24+$0x460] =	vst v6  }
0x48: {  	[tilespmem:s24+$0xC30] =	vst v19  }
0x49: {  	[tilespmem:s24+$0x440] =	vst v4  }
0x4a: {  	[tilespmem:s24+$0xC20] =	vst v18  }
0x4b: {  	[tilespmem:s24+$0xC10] =	vst v17  }
0x4c: {  	[tilespmem:s24+$0xC00] =	vst v16  }
0x4d: {  	[tilespmem:s24+$0x830] =	vst v11  }
0x4e: {  	[tilespmem:s24+$0x820] =	vst v10  }
0x4f: {  	[tilespmem:s24+$0x800] =	vst v8  }
0x50: {  	[tilespmem:s24+$0x430] =	vst v3  }
0x51: {  	s26 =	sand.u32 $0x3, s2;
	[tilespmem:s24+$0x420] =	vst v2  }
0x52: {  	s25 =	sshll.u32 s26, $0x8;
	[tilespmem:s24+$0x410] =	vst v1  }
0x53: {  	s25 =	sadd.s32 $0x0, s25;
	[tilespmem:s24+$0x400] =	vst v0  }
0x54: {  	s26 =	sor.u32 $0xC00, s25;
	[tilespmem:s24+$0x810] =	vst v9  }
0x55: {  	s28 =	sor.u32 $0xC10, s25;
	[tilespmem:s26+$0x400] =	vst v24  }
0x56: {  	s31 =	sor.u32 $0xC20, s25;
	[tilespmem:s28+$0x400] =	vst v25  }
0x57: {  	s28 =	sor.u32 $0xC30, s25;
	[tilespmem:s31+$0x400] =	vst v26  }
0x58: {  	s0 =	sor.u32 $0xC40, s25;
	[tilespmem:s28+$0x400] =	vst v27  }
0x59: {  	s1 =	sor.u32 $0xC50, s25;
	[tilespmem:s0+$0x400] =	vst v28  }
0x5a: {  	s12 =	sor.u32 $0xC60, s25;
	[tilespmem:s1+$0x400] =	vst v30  }
0x5b: {  	s21 =	sor.u32 $0xC70, s25;
	[tilespmem:s12+$0x400] =	vst v29  }
0x5c: {  	[tilespmem:s21+$0x400] =	vst v31  }
0x5d: {  	[tilespmem:s24+$0xCC0] =	vst v20  }
0x5e: {  	[tilespmem:s24+$0x8C0] =	vst v12  }
0x5f: {  	[tilespmem:s24+$0xCF0] =	vst v23  }
0x60: {  	[tilespmem:s24+$0x4C0] =	vst v4  }
0x61: {  	[tilespmem:s24+$0xCD0] =	vst v21  }
0x62: {  	[tilespmem:s24+$0xCE0] =	vst v22  }
0x63: {  	[tilespmem:s24+$0xCB0] =	vst v19  }
0x64: {  	[tilespmem:s24+$0xCA0] =	vst v18  }
0x65: {  	[tilespmem:s24+$0xC90] =	vst v17  }
0x66: {  	[tilespmem:s24+$0x8F0] =	vst v15  }
0x67: {  	[tilespmem:s24+$0xC80] =	vst v16  }
0x68: {  	[tilespmem:s24+$0x8D0] =	vst v13  }
0x69: {  	[tilespmem:s24+$0x8E0] =	vst v14  }
0x6a: {  	[tilespmem:s24+$0x8B0] =	vst v11  }
0x6b: {  	[tilespmem:s24+$0x8A0] =	vst v10  }
0x6c: {  	[tilespmem:s24+$0x890] =	vst v9  }
0x6d: {  	[tilespmem:s24+$0x4E0] =	vst v6  }
0x6e: {  	[tilespmem:s24+$0x880] =	vst v8  }
0x6f: {  	[tilespmem:s24+$0x4D0] =	vst v5  }
0x70: {  	[tilespmem:s24+$0x4B0] =	vst v3  }
0x71: {  	[tilespmem:s24+$0x490] =	vst v1  }
0x72: {  	[tilespmem:s24+$0x4F0] =	vst v7  }
0x73: {  	s25 =	sadd.s32 $0x80, s25;
	[tilespmem:s24+$0x4A0] =	vst v2  }
0x74: {  	s31 =	sor.u32 $0xC00, s25;
	[tilespmem:s24+$0x480] =	vst v0  }
0x75: {  	s0 =	sor.u32 $0xC10, s25;
	[tilespmem:s31+$0x400] =	vst v24  }
0x76: {  	s1 =	sor.u32 $0xC20, s25;
	[tilespmem:s0+$0x400] =	vst v25  }
0x77: {  	s12 =	sor.u32 $0xC30, s25;
	[tilespmem:s1+$0x400] =	vst v26  }
0x78: {  	s21 =	sor.u32 $0xC40, s25;
	[tilespmem:s12+$0x400] =	vst v27  }
0x79: {  	s30 =	simm.s32 $0x100;
	s29 =	sor.u32 $0xC70, s25;
	s31 =	sor.u32 $0xC50, s25;
	[tilespmem:s21+$0x400] =	vst v28  }
0x7a: {  	s28 =	sor.u32 $0xC60, s25;
	s24 =	simm.s32 $0x400;
	s25 =	simm.s32 $0x1;
	[tilespmem:s31+$0x400] =	vst v30  }
.LBB2_2:
0x7b: {  	s26 =	smov.u32 s30  }
0x7c: {  	s31 =	sand.u32 $0x7000, s24;
	s0 =	sand.u32 $0x300, s30;
	[tilespmem:s28+$0x400] =	vst v29;
	s26 =	sadd.s32 $0x100, s30  }
0x7d: {  	p1 =	sne.s32 s30, $0x1F00;
	s28 =	sor.u32 s0, s31;
	[tilespmem:s29+$0x400] =	vst v31  }
0x7e: {  	[tilespmem:s28+$0xC50] =	vst v21  }
0x7f: {  	[tilespmem:s28+$0xC60] =	vst v22  }
0x80: {  	[tilespmem:s28+$0xC70] =	vst v23  }
0x81: {  	[tilespmem:s28+$0xC40] =	vst v20  }
0x82: {  	[tilespmem:s28+$0x870] =	vst v15  }
0x83: {  	[tilespmem:s28+$0x860] =	vst v14  }
0x84: {  	[tilespmem:s28+$0x470] =	vst v7  }
0x85: {  	[tilespmem:s28+$0x850] =	vst v13  }
0x86: {  	s0 =	sand.u32 $0x3, s25;
	[tilespmem:s28+$0x450] =	vst v5  }
0x87: {  	s0 =	sshll.u32 s0, $0x8;
	[tilespmem:s28+$0x840] =	vst v12  }
0x88: {  	s0 =	sadd.s32 s0, s24;
	[tilespmem:s28+$0x460] =	vst v6  }
0x89: {  	s30 =	sor.u32 $0xC00, s0;
	s31 =	sor.u32 $0xC10, s0;
	s29 =	sadd.s32 $0x80, s0;
	[tilespmem:s28+$0xC30] =	vst v19  }
0x8a: {  	[tilespmem:s28+$0x440] =	vst v4  }
0x8b: {  	s1 =	sor.u32 $0xC20, s0;
	[tilespmem:s28+$0xC20] =	vst v18  }
0x8c: {  	s12 =	sor.u32 $0xC30, s0;
	[tilespmem:s28+$0xC10] =	vst v17  }
0x8d: {  	s21 =	sor.u32 $0xC40, s0;
	[tilespmem:s28+$0xC00] =	vst v16  }
0x8e: {  	[tilespmem:s28+$0x830] =	vst v11  }
0x8f: {  	[tilespmem:s28+$0x820] =	vst v10  }
0x90: {  	[tilespmem:s28+$0x800] =	vst v8  }
0x91: {  	[tilespmem:s28+$0x430] =	vst v3  }
0x92: {  	[tilespmem:s28+$0x420] =	vst v2  }
0x93: {  	[tilespmem:s28+$0x410] =	vst v1  }
0x94: {  	[tilespmem:s28+$0x400] =	vst v0  }
0x95: {  	[tilespmem:s28+$0x810] =	vst v9  }
0x96: {  	[tilespmem:s30+$0x400] =	vst v24  }
0x97: {  	[tilespmem:s31+$0x400] =	vst v25  }
0x98: {  	[tilespmem:s1+$0x400] =	vst v26  }
0x99: {  	[tilespmem:s12+$0x400] =	vst v27  }
0x9a: {  	s1 =	sor.u32 $0xC50, s0;
	[tilespmem:s21+$0x400] =	vst v28  }
0x9b: {  	[tilespmem:s1+$0x400] =	vst v30;
	s1 =	sor.u32 $0xC60, s0  }
0x9c: {  	s0 =	sor.u32 $0xC70, s0;
	[tilespmem:s1+$0x400] =	vst v29  }
0x9d: {  	[tilespmem:s0+$0x400] =	vst v31  }
0x9e: {  	[tilespmem:s28+$0xCC0] =	vst v20  }
0x9f: {  	[tilespmem:s28+$0x8C0] =	vst v12  }
0xa0: {  	[tilespmem:s28+$0xCF0] =	vst v23  }
0xa1: {  	[tilespmem:s28+$0x4C0] =	vst v4  }
0xa2: {  	[tilespmem:s28+$0xCD0] =	vst v21  }
0xa3: {  	[tilespmem:s28+$0xCE0] =	vst v22  }
0xa4: {  	[tilespmem:s28+$0xCB0] =	vst v19  }
0xa5: {  	[tilespmem:s28+$0xCA0] =	vst v18  }
0xa6: {  	[tilespmem:s28+$0xC90] =	vst v17  }
0xa7: {  	[tilespmem:s28+$0x8F0] =	vst v15  }
0xa8: {  	[tilespmem:s28+$0xC80] =	vst v16  }
0xa9: {  	[tilespmem:s28+$0x8D0] =	vst v13  }
0xaa: {  	[tilespmem:s28+$0x8E0] =	vst v14  }
0xab: {  	[tilespmem:s28+$0x8B0] =	vst v11  }
0xac: {  	[tilespmem:s28+$0x8A0] =	vst v10  }
0xad: {  	[tilespmem:s28+$0x890] =	vst v9  }
0xae: {  	[tilespmem:s28+$0x4E0] =	vst v6  }
0xaf: {  	[tilespmem:s28+$0x880] =	vst v8  }
0xb0: {  	[tilespmem:s28+$0x4D0] =	vst v5  }
0xb1: {  	[tilespmem:s28+$0x4B0] =	vst v3  }
0xb2: {  	[tilespmem:s28+$0x490] =	vst v1  }
0xb3: {  	[tilespmem:s28+$0x4F0] =	vst v7  }
0xb4: {  	s0 =	sor.u32 $0xC00, s29;
	[tilespmem:s28+$0x4A0] =	vst v2  }
0xb5: {  	s1 =	sor.u32 $0xC10, s29;
	[tilespmem:s28+$0x480] =	vst v0  }
0xb6: {  	[tilespmem:s0+$0x400] =	vst v24;
	s0 =	sor.u32 $0xC20, s29  }
.Ltmp0:
0xb7: {  	[tilespmem:s1+$0x400] =	vst v25;
	s1 =	sor.u32 $0xC30, s29;
	(pc) =	sbr.rel @p1 .LBB2_2-.Ltmp0, $4  }
0xb8: {  	[tilespmem:s0+$0x400] =	vst v26;
	s0 =	sor.u32 $0xC40, s29  }
0xb9: {  	[tilespmem:s1+$0x400] =	vst v27;
	s1 =	sor.u32 $0xC50, s29  }
0xba: {  	s25 =	sadd.s32 $0x1, s25;
	s28 =	sor.u32 $0xC60, s29;
	[tilespmem:s0+$0x400] =	vst v28  }
0xbb: {  	s24 =	sadd.s32 $0x400, s24;
	s30 =	smov.u32 s26;
	s29 =	sor.u32 $0xC70, s29;
	[tilespmem:s1+$0x400] =	vst v30  }
0xbc: {  	[tilespmem:s28+$0x400] =	vst v29  }
0xbd: {  	[tilespmem:s29+$0x400] =	vst v31  }
0xbe: {  	[hbm4b:s5+s19] =	stream.strided.scatter [tilespmem:s13], [sflag:$0x1], $0x8000, s20, s19, $0x38;
	[tilespmem:$0x10C00] =	vst v63  }
0xbf: {  	v0 =	vld [tilespmem:$0x80]  }
0xc0: {  	v1 =	vld [tilespmem:$0x90]  }
0xc1: {  	v2 =	vld [tilespmem:$0xA0]  }
0xc2: {  	v3 =	vld [tilespmem:$0xB0]  }
0xc3: {  	v4 =	vld [tilespmem:$0xC0]  }
0xc4: {  	v5 =	vld [tilespmem:$0xD0]  }
0xc5: {  	v6 =	vld [tilespmem:$0xE0]  }
0xc6: {  	v7 =	vld [tilespmem:$0xF0]  }
0xc7: {  	v8 =	vld [tilespmem:$0x180]  }
0xc8: {  	v9 =	vld [tilespmem:$0x190]  }
0xc9: {  	v10 =	vld [tilespmem:$0x1A0]  }
0xca: {  	v11 =	vld [tilespmem:$0x1B0]  }
0xcb: {  	v12 =	vld [tilespmem:$0x1C0]  }
0xcc: {  	v13 =	vld [tilespmem:$0x1D0]  }
0xcd: {  	v14 =	vld [tilespmem:$0x1E0]  }
0xce: {  	v15 =	vld [tilespmem:$0x1F0]  }
0xcf: {  	v16 =	vld [tilespmem:$0x280]  }
0xd0: {  	v17 =	vld [tilespmem:$0x290]  }
0xd1: {  	v18 =	vld [tilespmem:$0x2A0]  }
0xd2: {  	v19 =	vld [tilespmem:$0x2B0]  }
0xd3: {  	v20 =	vld [tilespmem:$0x2C0]  }
0xd4: {  	v21 =	vld [tilespmem:$0x2D0]  }
0xd5: {  	v22 =	vld [tilespmem:$0x2E0]  }
0xd6: {  	v23 =	vld [tilespmem:$0x2F0]  }
0xd7: {  	v24 =	vld [tilespmem:$0x380]  }
0xd8: {  	v25 =	vld [tilespmem:$0x390]  }
0xd9: {  	v26 =	vld [tilespmem:$0x3A0]  }
0xda: {  	v27 =	vld [tilespmem:$0x3B0]  }
0xdb: {  	s0 =	simm.s32 $0x0;
	v28 =	vld [tilespmem:$0x3C0]  }
0xdc: {  	s1 =	sand.u32 $0x7000, s0;
	s12 =	sand.u32 $0x300, s0;
	v29 =	vld [tilespmem:$0x3D0]  }
0xdd: {  	s24 =	sor.u32 s12, s1;
	v30 =	vld [tilespmem:$0x3E0]  }
0xde: {  	v31 =	vld [tilespmem:$0x3F0];
	[tilespmem:s24+$0x8C50] =	vst v21  }
0xdf: {  	[tilespmem:s24+$0x8C60] =	vst v22  }
0xe0: {  	[tilespmem:s24+$0x8C70] =	vst v23  }
0xe1: {  	[tilespmem:s24+$0x8C40] =	vst v20  }
0xe2: {  	[tilespmem:s24+$0x8870] =	vst v15  }
0xe3: {  	[tilespmem:s24+$0x8860] =	vst v14  }
0xe4: {  	[tilespmem:s24+$0x8470] =	vst v7  }
0xe5: {  	[tilespmem:s24+$0x8850] =	vst v13  }
0xe6: {  	[tilespmem:s24+$0x8450] =	vst v5  }
0xe7: {  	[tilespmem:s24+$0x8840] =	vst v12  }
0xe8: {  	[tilespmem:s24+$0x8460] =	vst v6  }
0xe9: {  	[tilespmem:s24+$0x8C30] =	vst v19  }
0xea: {  	[tilespmem:s24+$0x8440] =	vst v4  }
0xeb: {  	[tilespmem:s24+$0x8C20] =	vst v18  }
0xec: {  	[tilespmem:s24+$0x8C10] =	vst v17  }
0xed: {  	[tilespmem:s24+$0x8C00] =	vst v16  }
0xee: {  	[tilespmem:s24+$0x8830] =	vst v11  }
0xef: {  	[tilespmem:s24+$0x8820] =	vst v10  }
0xf0: {  	[tilespmem:s24+$0x8800] =	vst v8  }
0xf1: {  	[tilespmem:s24+$0x8430] =	vst v3  }
0xf2: {  	s0 =	sand.u32 $0x3, s0;
	[tilespmem:s24+$0x8420] =	vst v2  }
0xf3: {  	s0 =	sshll.u32 s0, $0x8;
	[tilespmem:s24+$0x8410] =	vst v1  }
0xf4: {  	s0 =	sadd.s32 $0x0, s0;
	[tilespmem:s24+$0x8400] =	vst v0  }
0xf5: {  	s21 =	sor.u32 $0xC00, s0;
	[tilespmem:s24+$0x8810] =	vst v9  }
0xf6: {  	s25 =	sor.u32 $0xC10, s0;
	[tilespmem:s21+$0x8400] =	vst v24  }
0xf7: {  	s26 =	sor.u32 $0xC20, s0;
	[tilespmem:s25+$0x8400] =	vst v25  }
0xf8: {  	s31 =	sor.u32 $0xC30, s0;
	[tilespmem:s26+$0x8400] =	vst v26  }
0xf9: {  	s21 =	sor.u32 $0xC40, s0;
	[tilespmem:s31+$0x8400] =	vst v27  }
0xfa: {  	s25 =	sor.u32 $0xC50, s0;
	[tilespmem:s21+$0x8400] =	vst v28  }
0xfb: {  	s26 =	sor.u32 $0xC60, s0;
	[tilespmem:s25+$0x8400] =	vst v29  }
0xfc: {  	s31 =	sor.u32 $0xC70, s0;
	[tilespmem:s26+$0x8400] =	vst v30  }
0xfd: {  	[tilespmem:s31+$0x8400] =	vst v31  }
0xfe: {  	[tilespmem:s24+$0x8CC0] =	vst v20  }
0xff: {  	[tilespmem:s24+$0x88C0] =	vst v12  }
0x100: {  	[tilespmem:s24+$0x8CF0] =	vst v23  }
0x101: {  	[tilespmem:s24+$0x84C0] =	vst v4  }
0x102: {  	[tilespmem:s24+$0x8CD0] =	vst v21  }
0x103: {  	[tilespmem:s24+$0x8CE0] =	vst v22  }
0x104: {  	[tilespmem:s24+$0x8CB0] =	vst v19  }
0x105: {  	[tilespmem:s24+$0x8CA0] =	vst v18  }
0x106: {  	[tilespmem:s24+$0x8C90] =	vst v17  }
0x107: {  	[tilespmem:s24+$0x88F0] =	vst v15  }
0x108: {  	[tilespmem:s24+$0x8C80] =	vst v16  }
0x109: {  	[tilespmem:s24+$0x88D0] =	vst v13  }
0x10a: {  	[tilespmem:s24+$0x88E0] =	vst v14  }
0x10b: {  	[tilespmem:s24+$0x88B0] =	vst v11  }
0x10c: {  	[tilespmem:s24+$0x88A0] =	vst v10  }
0x10d: {  	[tilespmem:s24+$0x8890] =	vst v9  }
0x10e: {  	[tilespmem:s24+$0x84E0] =	vst v6  }
0x10f: {  	[tilespmem:s24+$0x8880] =	vst v8  }
0x110: {  	[tilespmem:s24+$0x84D0] =	vst v5  }
0x111: {  	[tilespmem:s24+$0x84B0] =	vst v3  }
0x112: {  	[tilespmem:s24+$0x8490] =	vst v1  }
0x113: {  	[tilespmem:s24+$0x84F0] =	vst v7  }
0x114: {  	s0 =	sadd.s32 $0x80, s0;
	[tilespmem:s24+$0x84A0] =	vst v2  }
0x115: {  	s12 =	sor.u32 $0xC00, s0;
	[tilespmem:s24+$0x8480] =	vst v0  }
0x116: {  	s21 =	sor.u32 $0xC10, s0;
	[tilespmem:s12+$0x8400] =	vst v24  }
0x117: {  	s24 =	sor.u32 $0xC20, s0;
	[tilespmem:s21+$0x8400] =	vst v25  }
0x118: {  	s25 =	sor.u32 $0xC30, s0;
	[tilespmem:s24+$0x8400] =	vst v26  }
0x119: {  	s26 =	sor.u32 $0xC40, s0;
	[tilespmem:s25+$0x8400] =	vst v27  }
0x11a: {  	s30 =	simm.s32 $0x100;
	s28 =	sor.u32 $0xC60, s0;
	s31 =	sor.u32 $0xC50, s0;
	[tilespmem:s26+$0x8400] =	vst v28  }
0x11b: {  	s29 =	sor.u32 $0xC70, s0;
	s24 =	simm.s32 $0x400;
	s25 =	simm.s32 $0x1;
	[tilespmem:s31+$0x8400] =	vst v29  }
.LBB2_4:
0x11c: {  	s0 =	sand.u32 $0x7000, s24  }
0x11d: {  	s1 =	sand.u32 $0x300, s30;
	[tilespmem:s28+$0x8400] =	vst v30;
	s12 =	smov.u32 s30;
	s26 =	sadd.s32 $0x100, s30  }
0x11e: {  	p1 =	sne.s32 s30, $0x1F00;
	s28 =	sor.u32 s1, s0;
	[tilespmem:s29+$0x8400] =	vst v31  }
0x11f: {  	[tilespmem:s28+$0x8C50] =	vst v21  }
0x120: {  	[tilespmem:s28+$0x8C60] =	vst v22  }
0x121: {  	[tilespmem:s28+$0x8C70] =	vst v23  }
0x122: {  	[tilespmem:s28+$0x8C40] =	vst v20  }
0x123: {  	[tilespmem:s28+$0x8870] =	vst v15  }
0x124: {  	[tilespmem:s28+$0x8860] =	vst v14  }
0x125: {  	[tilespmem:s28+$0x8470] =	vst v7  }
0x126: {  	[tilespmem:s28+$0x8850] =	vst v13  }
0x127: {  	s0 =	sand.u32 $0x3, s25;
	[tilespmem:s28+$0x8450] =	vst v5  }
0x128: {  	s0 =	sshll.u32 s0, $0x8;
	[tilespmem:s28+$0x8840] =	vst v12  }
0x129: {  	s0 =	sadd.s32 s0, s24;
	[tilespmem:s28+$0x8460] =	vst v6  }
0x12a: {  	s1 =	sor.u32 $0xC00, s0;
	s12 =	sor.u32 $0xC10, s0;
	s29 =	sadd.s32 $0x80, s0;
	[tilespmem:s28+$0x8C30] =	vst v19  }
0x12b: {  	[tilespmem:s28+$0x8440] =	vst v4  }
0x12c: {  	s21 =	sor.u32 $0xC20, s0;
	[tilespmem:s28+$0x8C20] =	vst v18  }
0x12d: {  	s30 =	sor.u32 $0xC30, s0;
	[tilespmem:s28+$0x8C10] =	vst v17  }
0x12e: {  	s31 =	sor.u32 $0xC40, s0;
	[tilespmem:s28+$0x8C00] =	vst v16  }
0x12f: {  	[tilespmem:s28+$0x8830] =	vst v11  }
0x130: {  	[tilespmem:s28+$0x8820] =	vst v10  }
0x131: {  	[tilespmem:s28+$0x8800] =	vst v8  }
0x132: {  	[tilespmem:s28+$0x8430] =	vst v3  }
0x133: {  	[tilespmem:s28+$0x8420] =	vst v2  }
0x134: {  	[tilespmem:s28+$0x8410] =	vst v1  }
0x135: {  	[tilespmem:s28+$0x8400] =	vst v0  }
0x136: {  	[tilespmem:s28+$0x8810] =	vst v9  }
0x137: {  	[tilespmem:s1+$0x8400] =	vst v24  }
0x138: {  	[tilespmem:s12+$0x8400] =	vst v25  }
0x139: {  	[tilespmem:s21+$0x8400] =	vst v26  }
0x13a: {  	[tilespmem:s30+$0x8400] =	vst v27  }
0x13b: {  	s1 =	sor.u32 $0xC50, s0;
	[tilespmem:s31+$0x8400] =	vst v28  }
0x13c: {  	[tilespmem:s1+$0x8400] =	vst v29;
	s1 =	sor.u32 $0xC60, s0  }
0x13d: {  	s0 =	sor.u32 $0xC70, s0;
	[tilespmem:s1+$0x8400] =	vst v30  }
0x13e: {  	[tilespmem:s0+$0x8400] =	vst v31  }
0x13f: {  	[tilespmem:s28+$0x8CC0] =	vst v20  }
0x140: {  	[tilespmem:s28+$0x88C0] =	vst v12  }
0x141: {  	[tilespmem:s28+$0x8CF0] =	vst v23  }
0x142: {  	[tilespmem:s28+$0x84C0] =	vst v4  }
0x143: {  	[tilespmem:s28+$0x8CD0] =	vst v21  }
0x144: {  	[tilespmem:s28+$0x8CE0] =	vst v22  }
0x145: {  	[tilespmem:s28+$0x8CB0] =	vst v19  }
0x146: {  	[tilespmem:s28+$0x8CA0] =	vst v18  }
0x147: {  	[tilespmem:s28+$0x8C90] =	vst v17  }
0x148: {  	[tilespmem:s28+$0x88F0] =	vst v15  }
0x149: {  	[tilespmem:s28+$0x8C80] =	vst v16  }
0x14a: {  	[tilespmem:s28+$0x88D0] =	vst v13  }
0x14b: {  	[tilespmem:s28+$0x88E0] =	vst v14  }
0x14c: {  	[tilespmem:s28+$0x88B0] =	vst v11  }
0x14d: {  	[tilespmem:s28+$0x88A0] =	vst v10  }
0x14e: {  	[tilespmem:s28+$0x8890] =	vst v9  }
0x14f: {  	[tilespmem:s28+$0x84E0] =	vst v6  }
0x150: {  	[tilespmem:s28+$0x8880] =	vst v8  }
0x151: {  	[tilespmem:s28+$0x84D0] =	vst v5  }
0x152: {  	[tilespmem:s28+$0x84B0] =	vst v3  }
0x153: {  	[tilespmem:s28+$0x8490] =	vst v1  }
0x154: {  	[tilespmem:s28+$0x84F0] =	vst v7  }
0x155: {  	s0 =	sor.u32 $0xC00, s29;
	[tilespmem:s28+$0x84A0] =	vst v2  }
0x156: {  	s1 =	sor.u32 $0xC10, s29;
	[tilespmem:s28+$0x8480] =	vst v0  }
0x157: {  	[tilespmem:s0+$0x8400] =	vst v24;
	s0 =	sor.u32 $0xC20, s29  }
.Ltmp1:
0x158: {  	[tilespmem:s1+$0x8400] =	vst v25;
	s1 =	sor.u32 $0xC30, s29;
	(pc) =	sbr.rel @p1 .LBB2_4-.Ltmp1, $4  }
0x159: {  	[tilespmem:s0+$0x8400] =	vst v26;
	s0 =	sor.u32 $0xC40, s29  }
0x15a: {  	[tilespmem:s1+$0x8400] =	vst v27;
	s1 =	sor.u32 $0xC50, s29  }
0x15b: {  	s25 =	sadd.s32 $0x1, s25;
	s28 =	sor.u32 $0xC60, s29;
	[tilespmem:s0+$0x8400] =	vst v28  }
0x15c: {  	s24 =	sadd.s32 $0x400, s24;
	s30 =	smov.u32 s26;
	s29 =	sor.u32 $0xC70, s29;
	[tilespmem:s1+$0x8400] =	vst v29  }
0x15d: {  	s23 =	sadd.s32 $0x1, s23  }
0x15e: {  	[tilespmem:s28+$0x8400] =	vst v30;
	p1 =	sne.s32 s23, s9  }
.Ltmp2:
0x15f: {  	s0 =	simm.s32 $0x8400;
	[tilespmem:s29+$0x8400] =	vst v31;
	(pc) =	sbr.rel @p1 .LBB2_1-.Ltmp2, $4  }
0x160: {  	[hbm4b:s8+s19] =	stream.strided.scatter [tilespmem:s0], [sflag:$0x1], $0x8000, s20, s19, $0x38;
	[tilespmem:$0x10C00] =	vst v63  }
0x161: {  	_ =	swait.ge [sflag:s22], $0x4000  }
0x162: {  	[sflag:s22] =	ssyncset.done $0x0  }
0x163: {  	[sflag:s22] =	ssyncadd.s32 $0xFFFFC000  }
0x164: {  	_ =	sfence.sel $0x180000  }
0x165: {  	[bflag:$0x0] =	sbarrier.arrive $0xFFFF  }
0x166: {  	_ =	strace $0x90000047  }
0x167: {  	s0 =	stileid.u32;
	[bflag:$0x2] =	sbarrier.arrive $0xFFFF  }
0x168: {  	p0 =	sne.s32 s0, $0x0;
	s0 =	rddreg [dreg:$0x3]  }
0x169: {  	s0 =	sadd.s32 @!p0 $0x100000, s0  }
0x16a: {  	[sflag:s0] =	ssyncadd.tile.s32 @!p0 $0x1;
	_ =	shalt  }
.Lfunc_end2:
_tile_overlayer_lowered:
.L_overlay_start_2:
0x16b: {  	(tag) =	ssettag $0x2  }
0x16c: {  	s0 =	rddreg [dreg:$0x0];
	s2 =	stileid.u32  }
0x16d: {  	s1 =	rddreg [dreg:$0x1];
	p0 =	sne.s32 s2, $0x0  }
0x16e: {  	s3 =	rddreg [dreg:$0x2];
	[bflag:$0x3] =	sbarrier.arrive $0xFFFF;
	s2 =	simm.s32 @!p0 $0x1C02  }
0x16f: {  	[timem:s3], [sflag:s2] =	dma.local @!p0 [hbm:s0], s1  }
0x170: {  	s0 =	simm.s32 @!p0 $0x2  }
0x171: {  	_ =	swait.ge @!p0 [sflag:s0], s1  }
0x172: {  	s1 =	ssub.s32 @!p0 $0x0, s1;
	[sflag:s0] =	ssyncset.done @!p0 $0x0  }
0x173: {  	[sflag:s0] =	ssyncadd.s32 @!p0 s1  }
0x174: {  	[bflag:$0x3] =	sbarrier.arrive $0xFFFF  }
0x175: {  	_ =	shalt  }

</sc_bundles>
